<compile_context>
chip_gen: v7x
topology: tpu7x:2x2x1
jax: 0.10.2.dev20260603
libtpu: 0.0.44.dev20260713+nightly
codegen_flags: <defaults>
</compile_context>

<pallas_src>
import functools

import jax
import jax.numpy as jnp
from jax import lax
from jax.experimental import pallas as pl
from jax.experimental.pallas import tpu as pltpu
from jax.experimental.pallas import tpu_sc as plsc

NT = 16384
DM = 4096
NE = 64
NCORE = 2
NSUB = 16
NW = NCORE * NSUB
CH = NT // NW
BL = NT // NSUB
LSW = BL // 16
KR = 8
NCH = CH // KR

_mesh = plsc.VectorSubcoreMesh(
    core_axis_name="c", subcore_axis_name="s",
    num_cores=NCORE, num_subcores=NSUB)

_cparams = pltpu.CompilerParams(needs_layout_passes=False)


@functools.partial(
    pl.kernel,
    out_type=(jax.ShapeDtypeStruct((NT, DM), jnp.float32),
              jax.ShapeDtypeStruct((NE,), jnp.int32),
              jax.ShapeDtypeStruct((NT,), jnp.int32)),
    mesh=_mesh,
    compiler_params=_cparams,
    scratch_types=[
        pltpu.VMEM((BL,), jnp.int32),
        pltpu.VMEM((NE * 16,), jnp.int32),
        pltpu.VMEM((BL,), jnp.int32),
        pltpu.VMEM((NE * 16,), jnp.int32),
        pltpu.VMEM((NE * 16,), jnp.int32),
        pltpu.VMEM((NE,), jnp.int32),
        pltpu.VMEM((NSUB * NE,), jnp.int32),
        pltpu.VMEM((NE,), jnp.int32),
        pltpu.VMEM((NE,), jnp.int32),
        pltpu.VMEM((BL,), jnp.int32),
        pltpu.VMEM((NCH, KR), jnp.int32),
        pltpu.VMEM((KR, DM), jnp.float32),
        pltpu.VMEM((KR, DM), jnp.float32),
        pltpu.VMEM((KR, DM), jnp.float32),
        pltpu.VMEM_SHARED((NSUB * NE,), jnp.int32),
        pltpu.SemaphoreType.DMA,
        pltpu.SemaphoreType.DMA,
        pltpu.SemaphoreType.DMA,
        pltpu.SemaphoreType.DMA,
        pltpu.SemaphoreType.DMA,
        pltpu.SemaphoreType.DMA,
    ],
)
def _hardgate_kernel(in_hbm, map_hbm,
                     out_hbm, splits_hbm, rev_hbm,
                     mapb_v, cnt_v, rank_v, lb_v, incl_v, hist_v, ha_v,
                     tot_v, bb_v, revb_v, rev2d,
                     rows_a, rows_b, rows_c, sh_hist,
                     rsem_a, rsem_b, rsem_c, wsem_a, wsem_b, wsem_c):
    s_loc = lax.axis_index("s")
    cid = lax.axis_index("c")
    wid = cid * NSUB + s_loc
    blk0 = s_loc * BL
    coff = cid * CH
    tok0 = blk0 + coff

    bufs = ((rows_a, rsem_a, wsem_a),
            (rows_b, rsem_b, wsem_b),
            (rows_c, rsem_c, wsem_c))

    def _rd(c, buf, sem):
        return pltpu.make_async_copy(
            in_hbm.at[pl.ds(tok0 + c * KR, KR)], buf, sem)

    def _wr(c, buf, sem):
        return pltpu.make_async_copy(buf, out_hbm.at[rev2d.at[c]], sem)

    for b, (buf, rs, _) in enumerate(bufs):
        _rd(b, buf, rs).start()

    pltpu.sync_copy(map_hbm.at[pl.ds(blk0, BL)], mapb_v)
    lane = lax.iota(jnp.int32, 16)
    zeros = jnp.zeros((16,), jnp.int32)

    def zero_body(e, cr):
        cnt_v[pl.ds(e * 16, 16)] = zeros
        return cr
    lax.fori_loop(0, NE, zero_body, 0)

    def walk_body(st, cr):
        idx = lane * LSW + st
        ids = plsc.load_gather(mapb_v, [idx])
        key = ids * 16 + lane
        c = plsc.load_gather(cnt_v, [key])
        plsc.store_scatter(rank_v, [idx], c)
        plsc.store_scatter(cnt_v, [key], c + 1)
        return cr
    lax.fori_loop(0, LSW, walk_body, 0)

    def scan_body(e, cr):
        vec = cnt_v[pl.ds(e * 16, 16)]
        inc = plsc.cumsum(vec)
        lb_v[pl.ds(e * 16, 16)] = inc - vec
        incl_v[pl.ds(e * 16, 16)] = inc
        return cr
    lax.fori_loop(0, NE, scan_body, 0)

    for g in range(NE // 16):
        hv = plsc.load_gather(incl_v, [(g * 16 + lane) * 16 + 15])
        hist_v[pl.ds(g * 16, 16)] = hv

    pltpu.sync_copy(hist_v, sh_hist.at[pl.ds(s_loc * NE, NE)])
    plsc.subcore_barrier()
    pltpu.sync_copy(sh_hist, ha_v)

    for g in range(NE // 16):
        tot = jnp.zeros((16,), jnp.int32)
        pref = jnp.zeros((16,), jnp.int32)
        for w in range(NSUB):
            vec = ha_v[pl.ds(w * NE + g * 16, 16)]
            tot = tot + vec
            pref = pref + jnp.where(w < s_loc, vec, zeros)
        tot_v[pl.ds(g * 16, 16)] = tot
        bb_v[pl.ds(g * 16, 16)] = pref
    carry = jnp.int32(0)
    for g in range(NE // 16):
        vec = tot_v[pl.ds(g * 16, 16)]
        inc = plsc.cumsum(vec)
        bb_v[pl.ds(g * 16, 16)] = bb_v[pl.ds(g * 16, 16)] + (inc - vec) + carry
        carry = carry + jnp.sum(vec)

    @pl.when(wid == 0)
    def _():
        pltpu.sync_copy(tot_v, splits_hbm)

    def rev_body(v, cr):
        p = v * 16 + lane
        ids = mapb_v[pl.ds(v * 16, 16)]
        lane_of = p // LSW
        r = (rank_v[pl.ds(v * 16, 16)]
             + plsc.load_gather(lb_v, [ids * 16 + lane_of])
             + plsc.load_gather(bb_v, [ids]))
        revb_v[pl.ds(v * 16, 16)] = r
        return cr
    lax.fori_loop(0, BL // 16, rev_body, 0)

    pltpu.sync_copy(revb_v.at[pl.ds(coff, CH)], rev_hbm.at[pl.ds(tok0, CH)])

    def rev2d_body(v, cr):
        t = v * 16 + lane
        r = revb_v[pl.ds(coff + v * 16, 16)]
        plsc.store_scatter(rev2d, [t // KR, t % KR], r)
        return cr
    lax.fori_loop(0, CH // 16, rev2d_body, 0)

    NTRIP = NCH // 3

    def ring_body(i, cr):
        cs = [i * 3 + b for b in range(3)]
        for ck, (buf, rs, ws) in zip(cs, bufs):
            _rd(ck, buf, rs).wait()
            _wr(ck, buf, ws).start()
        for ck, (buf, rs, ws) in zip(cs, bufs):
            _wr(ck, buf, ws).wait()

            @pl.when(ck + 3 < NCH)
            def _():
                _rd(ck + 3, buf, rs).start()
        return cr

    lax.fori_loop(0, NTRIP, ring_body, 0)
    buf, rs, ws = bufs[0]
    _rd(NCH - 1, buf, rs).wait()
    _wr(NCH - 1, buf, ws).start()
    _wr(NCH - 1, buf, ws).wait()


def kernel(inputs, mapping):
    m32 = mapping.astype(jnp.int32)
    permuted, splits, rev = _hardgate_kernel(inputs, m32)
    return permuted, splits, rev

# --- scband reference (transcript-rebuilt; emitter-appended) ---
"""Pipeline reference for scband-hard-gate-57466662420621 (READ-ONLY COPY).

The authoritative reference and input builder live on the scoring server;
editing this copy changes nothing except your own understanding.
"""

import jax, jax.numpy as jnp
import numpy as np

NUM_EXPERTS = 64
N_TOKENS = 16384
D_MODEL = 4096

def setup_inputs(seed: int = 0) -> dict:
    key = jax.random.key(seed)
    k1, k2 = jax.random.split(key)
    inputs = jax.random.normal(k1, (N_TOKENS, D_MODEL), dtype=jnp.float32)
    mapping = jax.random.randint(k2, (N_TOKENS,), 0, NUM_EXPERTS, dtype=jnp.int64)
    return {"inputs": inputs, "mapping": mapping}

def reference(inputs, mapping):
    dim0 = inputs.shape[0]
    # torch.sort(mapping) -> sorted values, positions
    sorted_sample_pos = jnp.argsort(mapping)
    # reverse permutation: reverse[sorted_sample_pos] = arange(dim0)
    reverse_sorted_sample_pos = jnp.zeros((dim0,), dtype=jnp.int32).at[sorted_sample_pos].set(
        jnp.arange(dim0, dtype=jnp.int32)
    )
    # expert_splits = sum over tokens of one_hot(mapping, num_experts)
    one_hot = jax.nn.one_hot(mapping, NUM_EXPERTS, dtype=jnp.int32)
    expert_splits = jnp.sum(one_hot, axis=0)
    permuted = jnp.take(inputs, sorted_sample_pos, axis=0)
    return (permuted, expert_splits, reverse_sorted_sample_pos)

if __name__ == "__main__":
    import jax
    _d = setup_inputs()
    print(jax.jit(kernel)(*tuple(_d.values())))

</pallas_src>

<mosaic_0001>
#map = affine_map<(d0, d1) -> (0, 0)>
#map1 = affine_map<(d0, d1) -> (0)>
module attributes {stable_mosaic.version = 14 : i64} {
  func.func @_hardgate_kernel(%arg0: i32, %arg1: i32, %arg2: memref<16384x4096xf32, #tpu.memory_space<hbm>>, %arg3: memref<16384xi32, #tpu.memory_space<hbm>>, %arg4: memref<16384x4096xf32, #tpu.memory_space<hbm>>, %arg5: memref<64xi32, #tpu.memory_space<hbm>>, %arg6: memref<16384xi32, #tpu.memory_space<hbm>>, %arg7: memref<1024xi32, #tpu.memory_space<vmem>>, %arg8: memref<1024xi32, #tpu.memory_space<vmem>>, %arg9: memref<1024xi32, #tpu.memory_space<vmem>>, %arg10: memref<1024xi32, #tpu.memory_space<vmem>>, %arg11: memref<1024xi32, #tpu.memory_space<vmem>>, %arg12: memref<64xi32, #tpu.memory_space<vmem>>, %arg13: memref<1024xi32, #tpu.memory_space<vmem>>, %arg14: memref<64xi32, #tpu.memory_space<vmem>>, %arg15: memref<64xi32, #tpu.memory_space<vmem>>, %arg16: memref<1024xi32, #tpu.memory_space<vmem>>, %arg17: memref<64x8xi32, #tpu.memory_space<vmem>>, %arg18: memref<8x4096xf32, #tpu.memory_space<vmem>>, %arg19: memref<8x4096xf32, #tpu.memory_space<vmem>>, %arg20: memref<8x4096xf32, #tpu.memory_space<vmem>>, %arg21: memref<1024xi32, #tpu.memory_space<vmem_shared>>, %arg22: memref<!tpu.dma_semaphore, #tpu.memory_space<semaphore_mem>>, %arg23: memref<!tpu.dma_semaphore, #tpu.memory_space<semaphore_mem>>, %arg24: memref<!tpu.dma_semaphore, #tpu.memory_space<semaphore_mem>>, %arg25: memref<!tpu.dma_semaphore, #tpu.memory_space<semaphore_mem>>, %arg26: memref<!tpu.dma_semaphore, #tpu.memory_space<semaphore_mem>>, %arg27: memref<!tpu.dma_semaphore, #tpu.memory_space<semaphore_mem>>) attributes {dimension_semantics = [#tpu.dimension_semantics<core_parallel>, #tpu.dimension_semantics<subcore_parallel>], iteration_bounds = array<i64: 2, 16>, scalar_prefetch = 0 : i64, scratch_operands = 21 : i64, tpu.core_type = #tpu.core_type<sc_vector_subcore>, window_params = [{transform_indices = #map}, {transform_indices = #map1}, {transform_indices = #map}, {transform_indices = #map1}, {transform_indices = #map1}]} {
    %mul3A = arith.constant 16 : i32
    %mul3A_0 = arith.muli %arg0, %mul3A : i32
    %add3A = arith.addi %mul3A_0, %arg1 : i32
    %mul3A_1 = arith.constant 1024 : i32
    %mul3A_2 = arith.muli %arg1, %mul3A_1 : i32
    %mul3A_3 = arith.constant 512 : i32
    %mul3A_4 = arith.muli %arg0, %mul3A_3 : i32
    %add3A_5 = arith.addi %mul3A_2, %mul3A_4 : i32
    %add3A_6 = arith.constant 0 : i32
    %add3A_7 = arith.addi %add3A_5, %add3A_6 : i32
    %dma_start3A = arith.constant 0 : i32
    %dma_start3A_8 = tpu.memref_slice %arg2[%add3A_7, %dma_start3A] : memref<16384x4096xf32, #tpu.memory_space<hbm>> -> memref<8x4096xf32, #tpu.memory_space<hbm>>
    %dma_start3A_9 = arith.constant 0 : i32
    %dma_start3A_10 = tpu.memref_slice %arg2[%add3A_7, %dma_start3A_9] : memref<16384x4096xf32, #tpu.memory_space<hbm>> -> memref<8x4096xf32, #tpu.memory_space<hbm>>
    tpu.enqueue_dma source(%dma_start3A_10 : memref<8x4096xf32, #tpu.memory_space<hbm>>) target(%arg18 : memref<8x4096xf32, #tpu.memory_space<vmem>>) target_semaphore(%arg22 : memref<!tpu.dma_semaphore, #tpu.memory_space<semaphore_mem>>)
    %add3A_11 = arith.constant 8 : i32
    %add3A_12 = arith.addi %add3A_5, %add3A_11 : i32
    %dma_start3A_13 = arith.constant 0 : i32
    %dma_start3A_14 = tpu.memref_slice %arg2[%add3A_12, %dma_start3A_13] : memref<16384x4096xf32, #tpu.memory_space<hbm>> -> memref<8x4096xf32, #tpu.memory_space<hbm>>
    %dma_start3A_15 = arith.constant 0 : i32
    %dma_start3A_16 = tpu.memref_slice %arg2[%add3A_12, %dma_start3A_15] : memref<16384x4096xf32, #tpu.memory_space<hbm>> -> memref<8x4096xf32, #tpu.memory_space<hbm>>
    tpu.enqueue_dma source(%dma_start3A_16 : memref<8x4096xf32, #tpu.memory_space<hbm>>) target(%arg19 : memref<8x4096xf32, #tpu.memory_space<vmem>>) target_semaphore(%arg23 : memref<!tpu.dma_semaphore, #tpu.memory_space<semaphore_mem>>)
    %add3A_17 = arith.constant 16 : i32
    %add3A_18 = arith.addi %add3A_5, %add3A_17 : i32
    %dma_start3A_19 = arith.constant 0 : i32
    %dma_start3A_20 = tpu.memref_slice %arg2[%add3A_18, %dma_start3A_19] : memref<16384x4096xf32, #tpu.memory_space<hbm>> -> memref<8x4096xf32, #tpu.memory_space<hbm>>
    %dma_start3A_21 = arith.constant 0 : i32
    %dma_start3A_22 = tpu.memref_slice %arg2[%add3A_18, %dma_start3A_21] : memref<16384x4096xf32, #tpu.memory_space<hbm>> -> memref<8x4096xf32, #tpu.memory_space<hbm>>
    tpu.enqueue_dma source(%dma_start3A_22 : memref<8x4096xf32, #tpu.memory_space<hbm>>) target(%arg20 : memref<8x4096xf32, #tpu.memory_space<vmem>>) target_semaphore(%arg24 : memref<!tpu.dma_semaphore, #tpu.memory_space<semaphore_mem>>)
    "tpu.region"() ({
      %run_scoped3A = tpu.sem_alloc : memref<!tpu.dma_semaphore, #tpu.memory_space<semaphore_mem>>
      %dma_start3A_676 = tpu.memref_slice %arg3[%mul3A_2] : memref<16384xi32, #tpu.memory_space<hbm>> -> memref<1024xi32, #tpu.memory_space<hbm>>
      %dma_start3A_677 = tpu.memref_slice %arg3[%mul3A_2] : memref<16384xi32, #tpu.memory_space<hbm>> -> memref<1024xi32, #tpu.memory_space<hbm>>
      tpu.enqueue_dma source(%dma_start3A_677 : memref<1024xi32, #tpu.memory_space<hbm>>) target(%arg7 : memref<1024xi32, #tpu.memory_space<vmem>>) target_semaphore(%run_scoped3A : memref<!tpu.dma_semaphore, #tpu.memory_space<semaphore_mem>>)
      %dma_wait3A_678 = tpu.memref_slice %arg3[%mul3A_2] : memref<16384xi32, #tpu.memory_space<hbm>> -> memref<1024xi32, #tpu.memory_space<hbm>>
      %dma_wait3A_679 = tpu.memref_slice %arg3[%mul3A_2] : memref<16384xi32, #tpu.memory_space<hbm>> -> memref<1024xi32, #tpu.memory_space<hbm>>
      tpu.wait_dma2 semaphore(%run_scoped3A : memref<!tpu.dma_semaphore, #tpu.memory_space<semaphore_mem>>) src(%dma_wait3A_679 : memref<1024xi32, #tpu.memory_space<hbm>>) dst(%arg7 : memref<1024xi32, #tpu.memory_space<vmem>>)
      tpu.yield
    }) : () -> ()
    %iota3A = tpu.iota {dimensions = array<i32: 0>} : vector<16xi32>
    %broadcast_in_dim3A = arith.constant 0 : i32
    %broadcast_in_dim3A_23 = vector.broadcast %broadcast_in_dim3A : i32 to vector<16xi32>
    %scan3A = arith.constant 0 : i32
    %scan3A_24 = arith.constant 0 : i32
    %scan3A_25 = arith.constant 64 : i32
    %scan3A_26 = arith.addi %scan3A_24, %scan3A_25 : i32
    %scan3A_27 = arith.constant 1 : i32
    scf.for %scan3A_676 = %scan3A_24 to %scan3A_26 step %scan3A_27  : i32 {
      %mul3A_677 = arith.constant 16 : i32
      %mul3A_678 = arith.muli %scan3A_676, %mul3A_677 : i32
      %swap3A_679 = arith.index_cast %mul3A_678 : i32 to index
      %swap3A_680 = tpu.vector_load %arg8[%swap3A_679] {strides = array<i32>} : memref<1024xi32, #tpu.memory_space<vmem>>, vector<16xi32>,
      tpu.vector_store %arg8[%swap3A_679], %broadcast_in_dim3A_23 {strides = array<i32>} : memref<1024xi32, #tpu.memory_space<vmem>>, vector<16xi32>,
    }
    %scan3A_28 = arith.constant 64 : i32
    %scan3A_29 = arith.constant 0 : i32
    %scan3A_30 = arith.constant 0 : i32
    %scan3A_31 = arith.constant 64 : i32
    %scan3A_32 = arith.addi %scan3A_30, %scan3A_31 : i32
    %scan3A_33 = arith.constant 1 : i32
    scf.for %scan3A_676 = %scan3A_30 to %scan3A_32 step %scan3A_33  : i32 {
      %mul3A_677 = arith.constant 64 : i32
      %mul3A_678 = vector.broadcast %mul3A_677 : i32 to vector<16xi32>
      %mul3A_679 = arith.muli %iota3A, %mul3A_678 : vector<16xi32>
      %add3A_680 = vector.broadcast %scan3A_676 : i32 to vector<16xi32>
      %add3A_681 = arith.addi %mul3A_679, %add3A_680 : vector<16xi32>
      %gather3A_682 = tpu.vector_load_idx %arg7[%add3A_681] : memref<1024xi32, #tpu.memory_space<vmem>>[vector<16xi32>], vector<16xi32>,
      %mul3A_683 = arith.constant 16 : i32
      %mul3A_684 = vector.broadcast %mul3A_683 : i32 to vector<16xi32>
      %mul3A_685 = arith.muli %gather3A_682, %mul3A_684 : vector<16xi32>
      %add3A_686 = arith.addi %mul3A_685, %iota3A : vector<16xi32>
      %gather3A_687 = tpu.vector_load_idx %arg8[%add3A_686] : memref<1024xi32, #tpu.memory_space<vmem>>[vector<16xi32>], vector<16xi32>,
      tpu.vector_store_idx %arg9[%add3A_681], %gather3A_687 : memref<1024xi32, #tpu.memory_space<vmem>>[vector<16xi32>], vector<16xi32>,
      %add3A_688 = arith.constant 1 : i32
      %add3A_689 = vector.broadcast %add3A_688 : i32 to vector<16xi32>
      %add3A_690 = arith.addi %gather3A_687, %add3A_689 : vector<16xi32>
      tpu.vector_store_idx %arg8[%add3A_686], %add3A_690 : memref<1024xi32, #tpu.memory_space<vmem>>[vector<16xi32>], vector<16xi32>,
    }
    %scan3A_34 = arith.constant 64 : i32
    %scan3A_35 = arith.constant 0 : i32
    %scan3A_36 = arith.constant 0 : i32
    %scan3A_37 = arith.constant 64 : i32
    %scan3A_38 = arith.addi %scan3A_36, %scan3A_37 : i32
    %scan3A_39 = arith.constant 1 : i32
    scf.for %scan3A_676 = %scan3A_36 to %scan3A_38 step %scan3A_39  : i32 {
      %mul3A_677 = arith.constant 16 : i32
      %mul3A_678 = arith.muli %scan3A_676, %mul3A_677 : i32
      %get3A_679 = arith.index_cast %mul3A_678 : i32 to index
      %get3A_680 = tpu.vector_load %arg8[%get3A_679] {strides = array<i32>} : memref<1024xi32, #tpu.memory_space<vmem>>, vector<16xi32>,
      %broadcast_in_dim3A_681 = arith.constant true
      %broadcast_in_dim3A_682 = vector.broadcast %broadcast_in_dim3A_681 : i1 to vector<16xi1>
      %masked_cumsum3A_683 = tpu.scan <sum>, %get3A_680 masked %broadcast_in_dim3A_682 : vector<16xi32>, vector<16xi1> -> vector<16xi32>
      %sub3A_684 = arith.subi %masked_cumsum3A_683, %get3A_680 : vector<16xi32>
      %mul3A_685 = arith.constant 16 : i32
      %mul3A_686 = arith.muli %scan3A_676, %mul3A_685 : i32
      %swap3A_687 = arith.index_cast %mul3A_686 : i32 to index
      %swap3A_688 = tpu.vector_load %arg10[%swap3A_687] {strides = array<i32>} : memref<1024xi32, #tpu.memory_space<vmem>>, vector<16xi32>,
      tpu.vector_store %arg10[%swap3A_687], %sub3A_684 {strides = array<i32>} : memref<1024xi32, #tpu.memory_space<vmem>>, vector<16xi32>,
      %mul3A_689 = arith.constant 16 : i32
      %mul3A_690 = arith.muli %scan3A_676, %mul3A_689 : i32
      %swap3A_691 = arith.index_cast %mul3A_690 : i32 to index
      %swap3A_692 = tpu.vector_load %arg11[%swap3A_691] {strides = array<i32>} : memref<1024xi32, #tpu.memory_space<vmem>>, vector<16xi32>,
      tpu.vector_store %arg11[%swap3A_691], %masked_cumsum3A_683 {strides = array<i32>} : memref<1024xi32, #tpu.memory_space<vmem>>, vector<16xi32>,
    }
    %scan3A_40 = arith.constant 64 : i32
    %add3A_41 = arith.constant 0 : i32
    %add3A_42 = vector.broadcast %add3A_41 : i32 to vector<16xi32>
    %add3A_43 = arith.addi %add3A_42, %iota3A : vector<16xi32>
    %mul3A_44 = arith.constant 16 : i32
    %mul3A_45 = vector.broadcast %mul3A_44 : i32 to vector<16xi32>
    %mul3A_46 = arith.muli %add3A_43, %mul3A_45 : vector<16xi32>
    %add3A_47 = arith.constant 15 : i32
    %add3A_48 = vector.broadcast %add3A_47 : i32 to vector<16xi32>
    %add3A_49 = arith.addi %mul3A_46, %add3A_48 : vector<16xi32>
    %gather3A = tpu.vector_load_idx %arg11[%add3A_49] : memref<1024xi32, #tpu.memory_space<vmem>>[vector<16xi32>], vector<16xi32>,
    %swap3A = arith.constant 0 : index
    %swap3A_50 = tpu.vector_load %arg12[%swap3A] {strides = array<i32>} : memref<64xi32, #tpu.memory_space<vmem>>, vector<16xi32>,
    tpu.vector_store %arg12[%swap3A], %gather3A {strides = array<i32>} : memref<64xi32, #tpu.memory_space<vmem>>, vector<16xi32>,
    %add3A_51 = arith.constant 16 : i32
    %add3A_52 = vector.broadcast %add3A_51 : i32 to vector<16xi32>
    %add3A_53 = arith.addi %add3A_52, %iota3A : vector<16xi32>
    %mul3A_54 = arith.constant 16 : i32
    %mul3A_55 = vector.broadcast %mul3A_54 : i32 to vector<16xi32>
    %mul3A_56 = arith.muli %add3A_53, %mul3A_55 : vector<16xi32>
    %add3A_57 = arith.constant 15 : i32
    %add3A_58 = vector.broadcast %add3A_57 : i32 to vector<16xi32>
    %add3A_59 = arith.addi %mul3A_56, %add3A_58 : vector<16xi32>
    %gather3A_60 = tpu.vector_load_idx %arg11[%add3A_59] : memref<1024xi32, #tpu.memory_space<vmem>>[vector<16xi32>], vector<16xi32>,
    %swap3A_61 = arith.constant 16 : index
    %swap3A_62 = tpu.vector_load %arg12[%swap3A_61] {strides = array<i32>} : memref<64xi32, #tpu.memory_space<vmem>>, vector<16xi32>,
    tpu.vector_store %arg12[%swap3A_61], %gather3A_60 {strides = array<i32>} : memref<64xi32, #tpu.memory_space<vmem>>, vector<16xi32>,
    %add3A_63 = arith.constant 32 : i32
    %add3A_64 = vector.broadcast %add3A_63 : i32 to vector<16xi32>
    %add3A_65 = arith.addi %add3A_64, %iota3A : vector<16xi32>
    %mul3A_66 = arith.constant 16 : i32
    %mul3A_67 = vector.broadcast %mul3A_66 : i32 to vector<16xi32>
    %mul3A_68 = arith.muli %add3A_65, %mul3A_67 : vector<16xi32>
    %add3A_69 = arith.constant 15 : i32
    %add3A_70 = vector.broadcast %add3A_69 : i32 to vector<16xi32>
    %add3A_71 = arith.addi %mul3A_68, %add3A_70 : vector<16xi32>
    %gather3A_72 = tpu.vector_load_idx %arg11[%add3A_71] : memref<1024xi32, #tpu.memory_space<vmem>>[vector<16xi32>], vector<16xi32>,
    %swap3A_73 = arith.constant 32 : index
    %swap3A_74 = tpu.vector_load %arg12[%swap3A_73] {strides = array<i32>} : memref<64xi32, #tpu.memory_space<vmem>>, vector<16xi32>,
    tpu.vector_store %arg12[%swap3A_73], %gather3A_72 {strides = array<i32>} : memref<64xi32, #tpu.memory_space<vmem>>, vector<16xi32>,
    %add3A_75 = arith.constant 48 : i32
    %add3A_76 = vector.broadcast %add3A_75 : i32 to vector<16xi32>
    %add3A_77 = arith.addi %add3A_76, %iota3A : vector<16xi32>
    %mul3A_78 = arith.constant 16 : i32
    %mul3A_79 = vector.broadcast %mul3A_78 : i32 to vector<16xi32>
    %mul3A_80 = arith.muli %add3A_77, %mul3A_79 : vector<16xi32>
    %add3A_81 = arith.constant 15 : i32
    %add3A_82 = vector.broadcast %add3A_81 : i32 to vector<16xi32>
    %add3A_83 = arith.addi %mul3A_80, %add3A_82 : vector<16xi32>
    %gather3A_84 = tpu.vector_load_idx %arg11[%add3A_83] : memref<1024xi32, #tpu.memory_space<vmem>>[vector<16xi32>], vector<16xi32>,
    %swap3A_85 = arith.constant 48 : index
    %swap3A_86 = tpu.vector_load %arg12[%swap3A_85] {strides = array<i32>} : memref<64xi32, #tpu.memory_space<vmem>>, vector<16xi32>,
    tpu.vector_store %arg12[%swap3A_85], %gather3A_84 {strides = array<i32>} : memref<64xi32, #tpu.memory_space<vmem>>, vector<16xi32>,
    %mul3A_87 = arith.constant 64 : i32
    %mul3A_88 = arith.muli %arg1, %mul3A_87 : i32
    "tpu.region"() ({
      %run_scoped3A = tpu.sem_alloc : memref<!tpu.dma_semaphore, #tpu.memory_space<semaphore_mem>>
      %dma_start3A_676 = tpu.memref_slice %arg21[%mul3A_88] : memref<1024xi32, #tpu.memory_space<vmem_shared>> -> memref<64xi32, #tpu.memory_space<vmem_shared>>
      %dma_start3A_677 = tpu.memref_slice %arg21[%mul3A_88] : memref<1024xi32, #tpu.memory_space<vmem_shared>> -> memref<64xi32, #tpu.memory_space<vmem_shared>>
      tpu.enqueue_dma source(%arg12 : memref<64xi32, #tpu.memory_space<vmem>>) target(%dma_start3A_677 : memref<64xi32, #tpu.memory_space<vmem_shared>>) target_semaphore(%run_scoped3A : memref<!tpu.dma_semaphore, #tpu.memory_space<semaphore_mem>>)
      %dma_wait3A_678 = tpu.memref_slice %arg21[%mul3A_88] : memref<1024xi32, #tpu.memory_space<vmem_shared>> -> memref<64xi32, #tpu.memory_space<vmem_shared>>
      %dma_wait3A_679 = tpu.memref_slice %arg21[%mul3A_88] : memref<1024xi32, #tpu.memory_space<vmem_shared>> -> memref<64xi32, #tpu.memory_space<vmem_shared>>
      tpu.wait_dma2 semaphore(%run_scoped3A : memref<!tpu.dma_semaphore, #tpu.memory_space<semaphore_mem>>) src(%arg12 : memref<64xi32, #tpu.memory_space<vmem>>) dst(%dma_wait3A_679 : memref<64xi32, #tpu.memory_space<vmem_shared>>)
      tpu.yield
    }) : () -> ()
    %barrier3A = arith.constant 0 : index
    tpu.barrier barrier_id(%barrier3A)
    "tpu.region"() ({
      %run_scoped3A = tpu.sem_alloc : memref<!tpu.dma_semaphore, #tpu.memory_space<semaphore_mem>>
      tpu.enqueue_dma source(%arg21 : memref<1024xi32, #tpu.memory_space<vmem_shared>>) target(%arg13 : memref<1024xi32, #tpu.memory_space<vmem>>) target_semaphore(%run_scoped3A : memref<!tpu.dma_semaphore, #tpu.memory_space<semaphore_mem>>)
      tpu.wait_dma2 semaphore(%run_scoped3A : memref<!tpu.dma_semaphore, #tpu.memory_space<semaphore_mem>>) src(%arg21 : memref<1024xi32, #tpu.memory_space<vmem_shared>>) dst(%arg13 : memref<1024xi32, #tpu.memory_space<vmem>>)
      tpu.yield
    }) : () -> ()
    %broadcast_in_dim3A_89 = arith.constant 0 : i32
    %broadcast_in_dim3A_90 = vector.broadcast %broadcast_in_dim3A_89 : i32 to vector<16xi32>
    %broadcast_in_dim3A_91 = arith.constant 0 : i32
    %broadcast_in_dim3A_92 = vector.broadcast %broadcast_in_dim3A_91 : i32 to vector<16xi32>
    %get3A = arith.constant 0 : index
    %get3A_93 = tpu.vector_load %arg13[%get3A] {strides = array<i32>} : memref<1024xi32, #tpu.memory_space<vmem>>, vector<16xi32>,
    %add3A_94 = arith.addi %broadcast_in_dim3A_90, %get3A_93 : vector<16xi32>
    %gt3A = arith.constant 0 : i32
    %gt3A_95 = arith.cmpi sgt, %arg1, %gt3A : i32
    %select_n3A = arith.select %gt3A_95, %get3A_93, %broadcast_in_dim3A_23 : vector<16xi32>
    %add3A_96 = arith.addi %broadcast_in_dim3A_92, %select_n3A : vector<16xi32>
    %get3A_97 = arith.constant 64 : index
    %get3A_98 = tpu.vector_load %arg13[%get3A_97] {strides = array<i32>} : memref<1024xi32, #tpu.memory_space<vmem>>, vector<16xi32>,
    %add3A_99 = arith.addi %add3A_94, %get3A_98 : vector<16xi32>
    %gt3A_100 = arith.constant 1 : i32
    %gt3A_101 = arith.cmpi sgt, %arg1, %gt3A_100 : i32
    %select_n3A_102 = arith.select %gt3A_101, %get3A_98, %broadcast_in_dim3A_23 : vector<16xi32>
    %add3A_103 = arith.addi %add3A_96, %select_n3A_102 : vector<16xi32>
    %get3A_104 = arith.constant 128 : index
    %get3A_105 = tpu.vector_load %arg13[%get3A_104] {strides = array<i32>} : memref<1024xi32, #tpu.memory_space<vmem>>, vector<16xi32>,
    %add3A_106 = arith.addi %add3A_99, %get3A_105 : vector<16xi32>
    %gt3A_107 = arith.constant 2 : i32
    %gt3A_108 = arith.cmpi sgt, %arg1, %gt3A_107 : i32
    %select_n3A_109 = arith.select %gt3A_108, %get3A_105, %broadcast_in_dim3A_23 : vector<16xi32>
    %add3A_110 = arith.addi %add3A_103, %select_n3A_109 : vector<16xi32>
    %get3A_111 = arith.constant 192 : index
    %get3A_112 = tpu.vector_load %arg13[%get3A_111] {strides = array<i32>} : memref<1024xi32, #tpu.memory_space<vmem>>, vector<16xi32>,
    %add3A_113 = arith.addi %add3A_106, %get3A_112 : vector<16xi32>
    %gt3A_114 = arith.constant 3 : i32
    %gt3A_115 = arith.cmpi sgt, %arg1, %gt3A_114 : i32
    %select_n3A_116 = arith.select %gt3A_115, %get3A_112, %broadcast_in_dim3A_23 : vector<16xi32>
    %add3A_117 = arith.addi %add3A_110, %select_n3A_116 : vector<16xi32>
    %get3A_118 = arith.constant 256 : index
    %get3A_119 = tpu.vector_load %arg13[%get3A_118] {strides = array<i32>} : memref<1024xi32, #tpu.memory_space<vmem>>, vector<16xi32>,
    %add3A_120 = arith.addi %add3A_113, %get3A_119 : vector<16xi32>
    %gt3A_121 = arith.constant 4 : i32
    %gt3A_122 = arith.cmpi sgt, %arg1, %gt3A_121 : i32
    %select_n3A_123 = arith.select %gt3A_122, %get3A_119, %broadcast_in_dim3A_23 : vector<16xi32>
    %add3A_124 = arith.addi %add3A_117, %select_n3A_123 : vector<16xi32>
    %get3A_125 = arith.constant 320 : index
    %get3A_126 = tpu.vector_load %arg13[%get3A_125] {strides = array<i32>} : memref<1024xi32, #tpu.memory_space<vmem>>, vector<16xi32>,
    %add3A_127 = arith.addi %add3A_120, %get3A_126 : vector<16xi32>
    %gt3A_128 = arith.constant 5 : i32
    %gt3A_129 = arith.cmpi sgt, %arg1, %gt3A_128 : i32
    %select_n3A_130 = arith.select %gt3A_129, %get3A_126, %broadcast_in_dim3A_23 : vector<16xi32>
    %add3A_131 = arith.addi %add3A_124, %select_n3A_130 : vector<16xi32>
    %get3A_132 = arith.constant 384 : index
    %get3A_133 = tpu.vector_load %arg13[%get3A_132] {strides = array<i32>} : memref<1024xi32, #tpu.memory_space<vmem>>, vector<16xi32>,
    %add3A_134 = arith.addi %add3A_127, %get3A_133 : vector<16xi32>
    %gt3A_135 = arith.constant 6 : i32
    %gt3A_136 = arith.cmpi sgt, %arg1, %gt3A_135 : i32
    %select_n3A_137 = arith.select %gt3A_136, %get3A_133, %broadcast_in_dim3A_23 : vector<16xi32>
    %add3A_138 = arith.addi %add3A_131, %select_n3A_137 : vector<16xi32>
    %get3A_139 = arith.constant 448 : index
    %get3A_140 = tpu.vector_load %arg13[%get3A_139] {strides = array<i32>} : memref<1024xi32, #tpu.memory_space<vmem>>, vector<16xi32>,
    %add3A_141 = arith.addi %add3A_134, %get3A_140 : vector<16xi32>
    %gt3A_142 = arith.constant 7 : i32
    %gt3A_143 = arith.cmpi sgt, %arg1, %gt3A_142 : i32
    %select_n3A_144 = arith.select %gt3A_143, %get3A_140, %broadcast_in_dim3A_23 : vector<16xi32>
    %add3A_145 = arith.addi %add3A_138, %select_n3A_144 : vector<16xi32>
    %get3A_146 = arith.constant 512 : index
    %get3A_147 = tpu.vector_load %arg13[%get3A_146] {strides = array<i32>} : memref<1024xi32, #tpu.memory_space<vmem>>, vector<16xi32>,
    %add3A_148 = arith.addi %add3A_141, %get3A_147 : vector<16xi32>
    %gt3A_149 = arith.constant 8 : i32
    %gt3A_150 = arith.cmpi sgt, %arg1, %gt3A_149 : i32
    %select_n3A_151 = arith.select %gt3A_150, %get3A_147, %broadcast_in_dim3A_23 : vector<16xi32>
    %add3A_152 = arith.addi %add3A_145, %select_n3A_151 : vector<16xi32>
    %get3A_153 = arith.constant 576 : index
    %get3A_154 = tpu.vector_load %arg13[%get3A_153] {strides = array<i32>} : memref<1024xi32, #tpu.memory_space<vmem>>, vector<16xi32>,
    %add3A_155 = arith.addi %add3A_148, %get3A_154 : vector<16xi32>
    %gt3A_156 = arith.constant 9 : i32
    %gt3A_157 = arith.cmpi sgt, %arg1, %gt3A_156 : i32
    %select_n3A_158 = arith.select %gt3A_157, %get3A_154, %broadcast_in_dim3A_23 : vector<16xi32>
    %add3A_159 = arith.addi %add3A_152, %select_n3A_158 : vector<16xi32>
    %get3A_160 = arith.constant 640 : index
    %get3A_161 = tpu.vector_load %arg13[%get3A_160] {strides = array<i32>} : memref<1024xi32, #tpu.memory_space<vmem>>, vector<16xi32>,
    %add3A_162 = arith.addi %add3A_155, %get3A_161 : vector<16xi32>
    %gt3A_163 = arith.constant 10 : i32
    %gt3A_164 = arith.cmpi sgt, %arg1, %gt3A_163 : i32
    %select_n3A_165 = arith.select %gt3A_164, %get3A_161, %broadcast_in_dim3A_23 : vector<16xi32>
    %add3A_166 = arith.addi %add3A_159, %select_n3A_165 : vector<16xi32>
    %get3A_167 = arith.constant 704 : index
    %get3A_168 = tpu.vector_load %arg13[%get3A_167] {strides = array<i32>} : memref<1024xi32, #tpu.memory_space<vmem>>, vector<16xi32>,
    %add3A_169 = arith.addi %add3A_162, %get3A_168 : vector<16xi32>
    %gt3A_170 = arith.constant 11 : i32
    %gt3A_171 = arith.cmpi sgt, %arg1, %gt3A_170 : i32
    %select_n3A_172 = arith.select %gt3A_171, %get3A_168, %broadcast_in_dim3A_23 : vector<16xi32>
    %add3A_173 = arith.addi %add3A_166, %select_n3A_172 : vector<16xi32>
    %get3A_174 = arith.constant 768 : index
    %get3A_175 = tpu.vector_load %arg13[%get3A_174] {strides = array<i32>} : memref<1024xi32, #tpu.memory_space<vmem>>, vector<16xi32>,
    %add3A_176 = arith.addi %add3A_169, %get3A_175 : vector<16xi32>
    %gt3A_177 = arith.constant 12 : i32
    %gt3A_178 = arith.cmpi sgt, %arg1, %gt3A_177 : i32
    %select_n3A_179 = arith.select %gt3A_178, %get3A_175, %broadcast_in_dim3A_23 : vector<16xi32>
    %add3A_180 = arith.addi %add3A_173, %select_n3A_179 : vector<16xi32>
    %get3A_181 = arith.constant 832 : index
    %get3A_182 = tpu.vector_load %arg13[%get3A_181] {strides = array<i32>} : memref<1024xi32, #tpu.memory_space<vmem>>, vector<16xi32>,
    %add3A_183 = arith.addi %add3A_176, %get3A_182 : vector<16xi32>
    %gt3A_184 = arith.constant 13 : i32
    %gt3A_185 = arith.cmpi sgt, %arg1, %gt3A_184 : i32
    %select_n3A_186 = arith.select %gt3A_185, %get3A_182, %broadcast_in_dim3A_23 : vector<16xi32>
    %add3A_187 = arith.addi %add3A_180, %select_n3A_186 : vector<16xi32>
    %get3A_188 = arith.constant 896 : index
    %get3A_189 = tpu.vector_load %arg13[%get3A_188] {strides = array<i32>} : memref<1024xi32, #tpu.memory_space<vmem>>, vector<16xi32>,
    %add3A_190 = arith.addi %add3A_183, %get3A_189 : vector<16xi32>
    %gt3A_191 = arith.constant 14 : i32
    %gt3A_192 = arith.cmpi sgt, %arg1, %gt3A_191 : i32
    %select_n3A_193 = arith.select %gt3A_192, %get3A_189, %broadcast_in_dim3A_23 : vector<16xi32>
    %add3A_194 = arith.addi %add3A_187, %select_n3A_193 : vector<16xi32>
    %get3A_195 = arith.constant 960 : index
    %get3A_196 = tpu.vector_load %arg13[%get3A_195] {strides = array<i32>} : memref<1024xi32, #tpu.memory_space<vmem>>, vector<16xi32>,
    %add3A_197 = arith.addi %add3A_190, %get3A_196 : vector<16xi32>
    %gt3A_198 = arith.constant 15 : i32
    %gt3A_199 = arith.cmpi sgt, %arg1, %gt3A_198 : i32
    %select_n3A_200 = arith.select %gt3A_199, %get3A_196, %broadcast_in_dim3A_23 : vector<16xi32>
    %add3A_201 = arith.addi %add3A_194, %select_n3A_200 : vector<16xi32>
    %swap3A_202 = arith.constant 0 : index
    %swap3A_203 = tpu.vector_load %arg14[%swap3A_202] {strides = array<i32>} : memref<64xi32, #tpu.memory_space<vmem>>, vector<16xi32>,
    tpu.vector_store %arg14[%swap3A_202], %add3A_197 {strides = array<i32>} : memref<64xi32, #tpu.memory_space<vmem>>, vector<16xi32>,
    %swap3A_204 = arith.constant 0 : index
    %swap3A_205 = tpu.vector_load %arg15[%swap3A_204] {strides = array<i32>} : memref<64xi32, #tpu.memory_space<vmem>>, vector<16xi32>,
    tpu.vector_store %arg15[%swap3A_204], %add3A_201 {strides = array<i32>} : memref<64xi32, #tpu.memory_space<vmem>>, vector<16xi32>,
    %broadcast_in_dim3A_206 = arith.constant 0 : i32
    %broadcast_in_dim3A_207 = vector.broadcast %broadcast_in_dim3A_206 : i32 to vector<16xi32>
    %broadcast_in_dim3A_208 = arith.constant 0 : i32
    %broadcast_in_dim3A_209 = vector.broadcast %broadcast_in_dim3A_208 : i32 to vector<16xi32>
    %get3A_210 = arith.constant 16 : index
    %get3A_211 = tpu.vector_load %arg13[%get3A_210] {strides = array<i32>} : memref<1024xi32, #tpu.memory_space<vmem>>, vector<16xi32>,
    %add3A_212 = arith.addi %broadcast_in_dim3A_207, %get3A_211 : vector<16xi32>
    %gt3A_213 = arith.constant 0 : i32
    %gt3A_214 = arith.cmpi sgt, %arg1, %gt3A_213 : i32
    %select_n3A_215 = arith.select %gt3A_214, %get3A_211, %broadcast_in_dim3A_23 : vector<16xi32>
    %add3A_216 = arith.addi %broadcast_in_dim3A_209, %select_n3A_215 : vector<16xi32>
    %get3A_217 = arith.constant 80 : index
    %get3A_218 = tpu.vector_load %arg13[%get3A_217] {strides = array<i32>} : memref<1024xi32, #tpu.memory_space<vmem>>, vector<16xi32>,
    %add3A_219 = arith.addi %add3A_212, %get3A_218 : vector<16xi32>
    %gt3A_220 = arith.constant 1 : i32
    %gt3A_221 = arith.cmpi sgt, %arg1, %gt3A_220 : i32
    %select_n3A_222 = arith.select %gt3A_221, %get3A_218, %broadcast_in_dim3A_23 : vector<16xi32>
    %add3A_223 = arith.addi %add3A_216, %select_n3A_222 : vector<16xi32>
    %get3A_224 = arith.constant 144 : index
    %get3A_225 = tpu.vector_load %arg13[%get3A_224] {strides = array<i32>} : memref<1024xi32, #tpu.memory_space<vmem>>, vector<16xi32>,
    %add3A_226 = arith.addi %add3A_219, %get3A_225 : vector<16xi32>
    %gt3A_227 = arith.constant 2 : i32
    %gt3A_228 = arith.cmpi sgt, %arg1, %gt3A_227 : i32
    %select_n3A_229 = arith.select %gt3A_228, %get3A_225, %broadcast_in_dim3A_23 : vector<16xi32>
    %add3A_230 = arith.addi %add3A_223, %select_n3A_229 : vector<16xi32>
    %get3A_231 = arith.constant 208 : index
    %get3A_232 = tpu.vector_load %arg13[%get3A_231] {strides = array<i32>} : memref<1024xi32, #tpu.memory_space<vmem>>, vector<16xi32>,
    %add3A_233 = arith.addi %add3A_226, %get3A_232 : vector<16xi32>
    %gt3A_234 = arith.constant 3 : i32
    %gt3A_235 = arith.cmpi sgt, %arg1, %gt3A_234 : i32
    %select_n3A_236 = arith.select %gt3A_235, %get3A_232, %broadcast_in_dim3A_23 : vector<16xi32>
    %add3A_237 = arith.addi %add3A_230, %select_n3A_236 : vector<16xi32>
    %get3A_238 = arith.constant 272 : index
    %get3A_239 = tpu.vector_load %arg13[%get3A_238] {strides = array<i32>} : memref<1024xi32, #tpu.memory_space<vmem>>, vector<16xi32>,
    %add3A_240 = arith.addi %add3A_233, %get3A_239 : vector<16xi32>
    %gt3A_241 = arith.constant 4 : i32
    %gt3A_242 = arith.cmpi sgt, %arg1, %gt3A_241 : i32
    %select_n3A_243 = arith.select %gt3A_242, %get3A_239, %broadcast_in_dim3A_23 : vector<16xi32>
    %add3A_244 = arith.addi %add3A_237, %select_n3A_243 : vector<16xi32>
    %get3A_245 = arith.constant 336 : index
    %get3A_246 = tpu.vector_load %arg13[%get3A_245] {strides = array<i32>} : memref<1024xi32, #tpu.memory_space<vmem>>, vector<16xi32>,
    %add3A_247 = arith.addi %add3A_240, %get3A_246 : vector<16xi32>
    %gt3A_248 = arith.constant 5 : i32
    %gt3A_249 = arith.cmpi sgt, %arg1, %gt3A_248 : i32
    %select_n3A_250 = arith.select %gt3A_249, %get3A_246, %broadcast_in_dim3A_23 : vector<16xi32>
    %add3A_251 = arith.addi %add3A_244, %select_n3A_250 : vector<16xi32>
    %get3A_252 = arith.constant 400 : index
    %get3A_253 = tpu.vector_load %arg13[%get3A_252] {strides = array<i32>} : memref<1024xi32, #tpu.memory_space<vmem>>, vector<16xi32>,
    %add3A_254 = arith.addi %add3A_247, %get3A_253 : vector<16xi32>
    %gt3A_255 = arith.constant 6 : i32
    %gt3A_256 = arith.cmpi sgt, %arg1, %gt3A_255 : i32
    %select_n3A_257 = arith.select %gt3A_256, %get3A_253, %broadcast_in_dim3A_23 : vector<16xi32>
    %add3A_258 = arith.addi %add3A_251, %select_n3A_257 : vector<16xi32>
    %get3A_259 = arith.constant 464 : index
    %get3A_260 = tpu.vector_load %arg13[%get3A_259] {strides = array<i32>} : memref<1024xi32, #tpu.memory_space<vmem>>, vector<16xi32>,
    %add3A_261 = arith.addi %add3A_254, %get3A_260 : vector<16xi32>
    %gt3A_262 = arith.constant 7 : i32
    %gt3A_263 = arith.cmpi sgt, %arg1, %gt3A_262 : i32
    %select_n3A_264 = arith.select %gt3A_263, %get3A_260, %broadcast_in_dim3A_23 : vector<16xi32>
    %add3A_265 = arith.addi %add3A_258, %select_n3A_264 : vector<16xi32>
    %get3A_266 = arith.constant 528 : index
    %get3A_267 = tpu.vector_load %arg13[%get3A_266] {strides = array<i32>} : memref<1024xi32, #tpu.memory_space<vmem>>, vector<16xi32>,
    %add3A_268 = arith.addi %add3A_261, %get3A_267 : vector<16xi32>
    %gt3A_269 = arith.constant 8 : i32
    %gt3A_270 = arith.cmpi sgt, %arg1, %gt3A_269 : i32
    %select_n3A_271 = arith.select %gt3A_270, %get3A_267, %broadcast_in_dim3A_23 : vector<16xi32>
    %add3A_272 = arith.addi %add3A_265, %select_n3A_271 : vector<16xi32>
    %get3A_273 = arith.constant 592 : index
    %get3A_274 = tpu.vector_load %arg13[%get3A_273] {strides = array<i32>} : memref<1024xi32, #tpu.memory_space<vmem>>, vector<16xi32>,
    %add3A_275 = arith.addi %add3A_268, %get3A_274 : vector<16xi32>
    %gt3A_276 = arith.constant 9 : i32
    %gt3A_277 = arith.cmpi sgt, %arg1, %gt3A_276 : i32
    %select_n3A_278 = arith.select %gt3A_277, %get3A_274, %broadcast_in_dim3A_23 : vector<16xi32>
    %add3A_279 = arith.addi %add3A_272, %select_n3A_278 : vector<16xi32>
    %get3A_280 = arith.constant 656 : index
    %get3A_281 = tpu.vector_load %arg13[%get3A_280] {strides = array<i32>} : memref<1024xi32, #tpu.memory_space<vmem>>, vector<16xi32>,
    %add3A_282 = arith.addi %add3A_275, %get3A_281 : vector<16xi32>
    %gt3A_283 = arith.constant 10 : i32
    %gt3A_284 = arith.cmpi sgt, %arg1, %gt3A_283 : i32
    %select_n3A_285 = arith.select %gt3A_284, %get3A_281, %broadcast_in_dim3A_23 : vector<16xi32>
    %add3A_286 = arith.addi %add3A_279, %select_n3A_285 : vector<16xi32>
    %get3A_287 = arith.constant 720 : index
    %get3A_288 = tpu.vector_load %arg13[%get3A_287] {strides = array<i32>} : memref<1024xi32, #tpu.memory_space<vmem>>, vector<16xi32>,
    %add3A_289 = arith.addi %add3A_282, %get3A_288 : vector<16xi32>
    %gt3A_290 = arith.constant 11 : i32
    %gt3A_291 = arith.cmpi sgt, %arg1, %gt3A_290 : i32
    %select_n3A_292 = arith.select %gt3A_291, %get3A_288, %broadcast_in_dim3A_23 : vector<16xi32>
    %add3A_293 = arith.addi %add3A_286, %select_n3A_292 : vector<16xi32>
    %get3A_294 = arith.constant 784 : index
    %get3A_295 = tpu.vector_load %arg13[%get3A_294] {strides = array<i32>} : memref<1024xi32, #tpu.memory_space<vmem>>, vector<16xi32>,
    %add3A_296 = arith.addi %add3A_289, %get3A_295 : vector<16xi32>
    %gt3A_297 = arith.constant 12 : i32
    %gt3A_298 = arith.cmpi sgt, %arg1, %gt3A_297 : i32
    %select_n3A_299 = arith.select %gt3A_298, %get3A_295, %broadcast_in_dim3A_23 : vector<16xi32>
    %add3A_300 = arith.addi %add3A_293, %select_n3A_299 : vector<16xi32>
    %get3A_301 = arith.constant 848 : index
    %get3A_302 = tpu.vector_load %arg13[%get3A_301] {strides = array<i32>} : memref<1024xi32, #tpu.memory_space<vmem>>, vector<16xi32>,
    %add3A_303 = arith.addi %add3A_296, %get3A_302 : vector<16xi32>
    %gt3A_304 = arith.constant 13 : i32
    %gt3A_305 = arith.cmpi sgt, %arg1, %gt3A_304 : i32
    %select_n3A_306 = arith.select %gt3A_305, %get3A_302, %broadcast_in_dim3A_23 : vector<16xi32>
    %add3A_307 = arith.addi %add3A_300, %select_n3A_306 : vector<16xi32>
    %get3A_308 = arith.constant 912 : index
    %get3A_309 = tpu.vector_load %arg13[%get3A_308] {strides = array<i32>} : memref<1024xi32, #tpu.memory_space<vmem>>, vector<16xi32>,
    %add3A_310 = arith.addi %add3A_303, %get3A_309 : vector<16xi32>
    %gt3A_311 = arith.constant 14 : i32
    %gt3A_312 = arith.cmpi sgt, %arg1, %gt3A_311 : i32
    %select_n3A_313 = arith.select %gt3A_312, %get3A_309, %broadcast_in_dim3A_23 : vector<16xi32>
    %add3A_314 = arith.addi %add3A_307, %select_n3A_313 : vector<16xi32>
    %get3A_315 = arith.constant 976 : index
    %get3A_316 = tpu.vector_load %arg13[%get3A_315] {strides = array<i32>} : memref<1024xi32, #tpu.memory_space<vmem>>, vector<16xi32>,
    %add3A_317 = arith.addi %add3A_310, %get3A_316 : vector<16xi32>
    %gt3A_318 = arith.constant 15 : i32
    %gt3A_319 = arith.cmpi sgt, %arg1, %gt3A_318 : i32
    %select_n3A_320 = arith.select %gt3A_319, %get3A_316, %broadcast_in_dim3A_23 : vector<16xi32>
    %add3A_321 = arith.addi %add3A_314, %select_n3A_320 : vector<16xi32>
    %swap3A_322 = arith.constant 16 : index
    %swap3A_323 = tpu.vector_load %arg14[%swap3A_322] {strides = array<i32>} : memref<64xi32, #tpu.memory_space<vmem>>, vector<16xi32>,
    tpu.vector_store %arg14[%swap3A_322], %add3A_317 {strides = array<i32>} : memref<64xi32, #tpu.memory_space<vmem>>, vector<16xi32>,
    %swap3A_324 = arith.constant 16 : index
    %swap3A_325 = tpu.vector_load %arg15[%swap3A_324] {strides = array<i32>} : memref<64xi32, #tpu.memory_space<vmem>>, vector<16xi32>,
    tpu.vector_store %arg15[%swap3A_324], %add3A_321 {strides = array<i32>} : memref<64xi32, #tpu.memory_space<vmem>>, vector<16xi32>,
    %broadcast_in_dim3A_326 = arith.constant 0 : i32
    %broadcast_in_dim3A_327 = vector.broadcast %broadcast_in_dim3A_326 : i32 to vector<16xi32>
    %broadcast_in_dim3A_328 = arith.constant 0 : i32
    %broadcast_in_dim3A_329 = vector.broadcast %broadcast_in_dim3A_328 : i32 to vector<16xi32>
    %get3A_330 = arith.constant 32 : index
    %get3A_331 = tpu.vector_load %arg13[%get3A_330] {strides = array<i32>} : memref<1024xi32, #tpu.memory_space<vmem>>, vector<16xi32>,
    %add3A_332 = arith.addi %broadcast_in_dim3A_327, %get3A_331 : vector<16xi32>
    %gt3A_333 = arith.constant 0 : i32
    %gt3A_334 = arith.cmpi sgt, %arg1, %gt3A_333 : i32
    %select_n3A_335 = arith.select %gt3A_334, %get3A_331, %broadcast_in_dim3A_23 : vector<16xi32>
    %add3A_336 = arith.addi %broadcast_in_dim3A_329, %select_n3A_335 : vector<16xi32>
    %get3A_337 = arith.constant 96 : index
    %get3A_338 = tpu.vector_load %arg13[%get3A_337] {strides = array<i32>} : memref<1024xi32, #tpu.memory_space<vmem>>, vector<16xi32>,
    %add3A_339 = arith.addi %add3A_332, %get3A_338 : vector<16xi32>
    %gt3A_340 = arith.constant 1 : i32
    %gt3A_341 = arith.cmpi sgt, %arg1, %gt3A_340 : i32
    %select_n3A_342 = arith.select %gt3A_341, %get3A_338, %broadcast_in_dim3A_23 : vector<16xi32>
    %add3A_343 = arith.addi %add3A_336, %select_n3A_342 : vector<16xi32>
    %get3A_344 = arith.constant 160 : index
    %get3A_345 = tpu.vector_load %arg13[%get3A_344] {strides = array<i32>} : memref<1024xi32, #tpu.memory_space<vmem>>, vector<16xi32>,
    %add3A_346 = arith.addi %add3A_339, %get3A_345 : vector<16xi32>
    %gt3A_347 = arith.constant 2 : i32
    %gt3A_348 = arith.cmpi sgt, %arg1, %gt3A_347 : i32
    %select_n3A_349 = arith.select %gt3A_348, %get3A_345, %broadcast_in_dim3A_23 : vector<16xi32>
    %add3A_350 = arith.addi %add3A_343, %select_n3A_349 : vector<16xi32>
    %get3A_351 = arith.constant 224 : index
    %get3A_352 = tpu.vector_load %arg13[%get3A_351] {strides = array<i32>} : memref<1024xi32, #tpu.memory_space<vmem>>, vector<16xi32>,
    %add3A_353 = arith.addi %add3A_346, %get3A_352 : vector<16xi32>
    %gt3A_354 = arith.constant 3 : i32
    %gt3A_355 = arith.cmpi sgt, %arg1, %gt3A_354 : i32
    %select_n3A_356 = arith.select %gt3A_355, %get3A_352, %broadcast_in_dim3A_23 : vector<16xi32>
    %add3A_357 = arith.addi %add3A_350, %select_n3A_356 : vector<16xi32>
    %get3A_358 = arith.constant 288 : index
    %get3A_359 = tpu.vector_load %arg13[%get3A_358] {strides = array<i32>} : memref<1024xi32, #tpu.memory_space<vmem>>, vector<16xi32>,
    %add3A_360 = arith.addi %add3A_353, %get3A_359 : vector<16xi32>
    %gt3A_361 = arith.constant 4 : i32
    %gt3A_362 = arith.cmpi sgt, %arg1, %gt3A_361 : i32
    %select_n3A_363 = arith.select %gt3A_362, %get3A_359, %broadcast_in_dim3A_23 : vector<16xi32>
    %add3A_364 = arith.addi %add3A_357, %select_n3A_363 : vector<16xi32>
    %get3A_365 = arith.constant 352 : index
    %get3A_366 = tpu.vector_load %arg13[%get3A_365] {strides = array<i32>} : memref<1024xi32, #tpu.memory_space<vmem>>, vector<16xi32>,
    %add3A_367 = arith.addi %add3A_360, %get3A_366 : vector<16xi32>
    %gt3A_368 = arith.constant 5 : i32
    %gt3A_369 = arith.cmpi sgt, %arg1, %gt3A_368 : i32
    %select_n3A_370 = arith.select %gt3A_369, %get3A_366, %broadcast_in_dim3A_23 : vector<16xi32>
    %add3A_371 = arith.addi %add3A_364, %select_n3A_370 : vector<16xi32>
    %get3A_372 = arith.constant 416 : index
    %get3A_373 = tpu.vector_load %arg13[%get3A_372] {strides = array<i32>} : memref<1024xi32, #tpu.memory_space<vmem>>, vector<16xi32>,
    %add3A_374 = arith.addi %add3A_367, %get3A_373 : vector<16xi32>
    %gt3A_375 = arith.constant 6 : i32
    %gt3A_376 = arith.cmpi sgt, %arg1, %gt3A_375 : i32
    %select_n3A_377 = arith.select %gt3A_376, %get3A_373, %broadcast_in_dim3A_23 : vector<16xi32>
    %add3A_378 = arith.addi %add3A_371, %select_n3A_377 : vector<16xi32>
    %get3A_379 = arith.constant 480 : index
    %get3A_380 = tpu.vector_load %arg13[%get3A_379] {strides = array<i32>} : memref<1024xi32, #tpu.memory_space<vmem>>, vector<16xi32>,
    %add3A_381 = arith.addi %add3A_374, %get3A_380 : vector<16xi32>
    %gt3A_382 = arith.constant 7 : i32
    %gt3A_383 = arith.cmpi sgt, %arg1, %gt3A_382 : i32
    %select_n3A_384 = arith.select %gt3A_383, %get3A_380, %broadcast_in_dim3A_23 : vector<16xi32>
    %add3A_385 = arith.addi %add3A_378, %select_n3A_384 : vector<16xi32>
    %get3A_386 = arith.constant 544 : index
    %get3A_387 = tpu.vector_load %arg13[%get3A_386] {strides = array<i32>} : memref<1024xi32, #tpu.memory_space<vmem>>, vector<16xi32>,
    %add3A_388 = arith.addi %add3A_381, %get3A_387 : vector<16xi32>
    %gt3A_389 = arith.constant 8 : i32
    %gt3A_390 = arith.cmpi sgt, %arg1, %gt3A_389 : i32
    %select_n3A_391 = arith.select %gt3A_390, %get3A_387, %broadcast_in_dim3A_23 : vector<16xi32>
    %add3A_392 = arith.addi %add3A_385, %select_n3A_391 : vector<16xi32>
    %get3A_393 = arith.constant 608 : index
    %get3A_394 = tpu.vector_load %arg13[%get3A_393] {strides = array<i32>} : memref<1024xi32, #tpu.memory_space<vmem>>, vector<16xi32>,
    %add3A_395 = arith.addi %add3A_388, %get3A_394 : vector<16xi32>
    %gt3A_396 = arith.constant 9 : i32
    %gt3A_397 = arith.cmpi sgt, %arg1, %gt3A_396 : i32
    %select_n3A_398 = arith.select %gt3A_397, %get3A_394, %broadcast_in_dim3A_23 : vector<16xi32>
    %add3A_399 = arith.addi %add3A_392, %select_n3A_398 : vector<16xi32>
    %get3A_400 = arith.constant 672 : index
    %get3A_401 = tpu.vector_load %arg13[%get3A_400] {strides = array<i32>} : memref<1024xi32, #tpu.memory_space<vmem>>, vector<16xi32>,
    %add3A_402 = arith.addi %add3A_395, %get3A_401 : vector<16xi32>
    %gt3A_403 = arith.constant 10 : i32
    %gt3A_404 = arith.cmpi sgt, %arg1, %gt3A_403 : i32
    %select_n3A_405 = arith.select %gt3A_404, %get3A_401, %broadcast_in_dim3A_23 : vector<16xi32>
    %add3A_406 = arith.addi %add3A_399, %select_n3A_405 : vector<16xi32>
    %get3A_407 = arith.constant 736 : index
    %get3A_408 = tpu.vector_load %arg13[%get3A_407] {strides = array<i32>} : memref<1024xi32, #tpu.memory_space<vmem>>, vector<16xi32>,
    %add3A_409 = arith.addi %add3A_402, %get3A_408 : vector<16xi32>
    %gt3A_410 = arith.constant 11 : i32
    %gt3A_411 = arith.cmpi sgt, %arg1, %gt3A_410 : i32
    %select_n3A_412 = arith.select %gt3A_411, %get3A_408, %broadcast_in_dim3A_23 : vector<16xi32>
    %add3A_413 = arith.addi %add3A_406, %select_n3A_412 : vector<16xi32>
    %get3A_414 = arith.constant 800 : index
    %get3A_415 = tpu.vector_load %arg13[%get3A_414] {strides = array<i32>} : memref<1024xi32, #tpu.memory_space<vmem>>, vector<16xi32>,
    %add3A_416 = arith.addi %add3A_409, %get3A_415 : vector<16xi32>
    %gt3A_417 = arith.constant 12 : i32
    %gt3A_418 = arith.cmpi sgt, %arg1, %gt3A_417 : i32
    %select_n3A_419 = arith.select %gt3A_418, %get3A_415, %broadcast_in_dim3A_23 : vector<16xi32>
    %add3A_420 = arith.addi %add3A_413, %select_n3A_419 : vector<16xi32>
    %get3A_421 = arith.constant 864 : index
    %get3A_422 = tpu.vector_load %arg13[%get3A_421] {strides = array<i32>} : memref<1024xi32, #tpu.memory_space<vmem>>, vector<16xi32>,
    %add3A_423 = arith.addi %add3A_416, %get3A_422 : vector<16xi32>
    %gt3A_424 = arith.constant 13 : i32
    %gt3A_425 = arith.cmpi sgt, %arg1, %gt3A_424 : i32
    %select_n3A_426 = arith.select %gt3A_425, %get3A_422, %broadcast_in_dim3A_23 : vector<16xi32>
    %add3A_427 = arith.addi %add3A_420, %select_n3A_426 : vector<16xi32>
    %get3A_428 = arith.constant 928 : index
    %get3A_429 = tpu.vector_load %arg13[%get3A_428] {strides = array<i32>} : memref<1024xi32, #tpu.memory_space<vmem>>, vector<16xi32>,
    %add3A_430 = arith.addi %add3A_423, %get3A_429 : vector<16xi32>
    %gt3A_431 = arith.constant 14 : i32
    %gt3A_432 = arith.cmpi sgt, %arg1, %gt3A_431 : i32
    %select_n3A_433 = arith.select %gt3A_432, %get3A_429, %broadcast_in_dim3A_23 : vector<16xi32>
    %add3A_434 = arith.addi %add3A_427, %select_n3A_433 : vector<16xi32>
    %get3A_435 = arith.constant 992 : index
    %get3A_436 = tpu.vector_load %arg13[%get3A_435] {strides = array<i32>} : memref<1024xi32, #tpu.memory_space<vmem>>, vector<16xi32>,
    %add3A_437 = arith.addi %add3A_430, %get3A_436 : vector<16xi32>
    %gt3A_438 = arith.constant 15 : i32
    %gt3A_439 = arith.cmpi sgt, %arg1, %gt3A_438 : i32
    %select_n3A_440 = arith.select %gt3A_439, %get3A_436, %broadcast_in_dim3A_23 : vector<16xi32>
    %add3A_441 = arith.addi %add3A_434, %select_n3A_440 : vector<16xi32>
    %swap3A_442 = arith.constant 32 : index
    %swap3A_443 = tpu.vector_load %arg14[%swap3A_442] {strides = array<i32>} : memref<64xi32, #tpu.memory_space<vmem>>, vector<16xi32>,
    tpu.vector_store %arg14[%swap3A_442], %add3A_437 {strides = array<i32>} : memref<64xi32, #tpu.memory_space<vmem>>, vector<16xi32>,
    %swap3A_444 = arith.constant 32 : index
    %swap3A_445 = tpu.vector_load %arg15[%swap3A_444] {strides = array<i32>} : memref<64xi32, #tpu.memory_space<vmem>>, vector<16xi32>,
    tpu.vector_store %arg15[%swap3A_444], %add3A_441 {strides = array<i32>} : memref<64xi32, #tpu.memory_space<vmem>>, vector<16xi32>,
    %broadcast_in_dim3A_446 = arith.constant 0 : i32
    %broadcast_in_dim3A_447 = vector.broadcast %broadcast_in_dim3A_446 : i32 to vector<16xi32>
    %broadcast_in_dim3A_448 = arith.constant 0 : i32
    %broadcast_in_dim3A_449 = vector.broadcast %broadcast_in_dim3A_448 : i32 to vector<16xi32>
    %get3A_450 = arith.constant 48 : index
    %get3A_451 = tpu.vector_load %arg13[%get3A_450] {strides = array<i32>} : memref<1024xi32, #tpu.memory_space<vmem>>, vector<16xi32>,
    %add3A_452 = arith.addi %broadcast_in_dim3A_447, %get3A_451 : vector<16xi32>
    %gt3A_453 = arith.constant 0 : i32
    %gt3A_454 = arith.cmpi sgt, %arg1, %gt3A_453 : i32
    %select_n3A_455 = arith.select %gt3A_454, %get3A_451, %broadcast_in_dim3A_23 : vector<16xi32>
    %add3A_456 = arith.addi %broadcast_in_dim3A_449, %select_n3A_455 : vector<16xi32>
    %get3A_457 = arith.constant 112 : index
    %get3A_458 = tpu.vector_load %arg13[%get3A_457] {strides = array<i32>} : memref<1024xi32, #tpu.memory_space<vmem>>, vector<16xi32>,
    %add3A_459 = arith.addi %add3A_452, %get3A_458 : vector<16xi32>
    %gt3A_460 = arith.constant 1 : i32
    %gt3A_461 = arith.cmpi sgt, %arg1, %gt3A_460 : i32
    %select_n3A_462 = arith.select %gt3A_461, %get3A_458, %broadcast_in_dim3A_23 : vector<16xi32>
    %add3A_463 = arith.addi %add3A_456, %select_n3A_462 : vector<16xi32>
    %get3A_464 = arith.constant 176 : index
    %get3A_465 = tpu.vector_load %arg13[%get3A_464] {strides = array<i32>} : memref<1024xi32, #tpu.memory_space<vmem>>, vector<16xi32>,
    %add3A_466 = arith.addi %add3A_459, %get3A_465 : vector<16xi32>
    %gt3A_467 = arith.constant 2 : i32
    %gt3A_468 = arith.cmpi sgt, %arg1, %gt3A_467 : i32
    %select_n3A_469 = arith.select %gt3A_468, %get3A_465, %broadcast_in_dim3A_23 : vector<16xi32>
    %add3A_470 = arith.addi %add3A_463, %select_n3A_469 : vector<16xi32>
    %get3A_471 = arith.constant 240 : index
    %get3A_472 = tpu.vector_load %arg13[%get3A_471] {strides = array<i32>} : memref<1024xi32, #tpu.memory_space<vmem>>, vector<16xi32>,
    %add3A_473 = arith.addi %add3A_466, %get3A_472 : vector<16xi32>
    %gt3A_474 = arith.constant 3 : i32
    %gt3A_475 = arith.cmpi sgt, %arg1, %gt3A_474 : i32
    %select_n3A_476 = arith.select %gt3A_475, %get3A_472, %broadcast_in_dim3A_23 : vector<16xi32>
    %add3A_477 = arith.addi %add3A_470, %select_n3A_476 : vector<16xi32>
    %get3A_478 = arith.constant 304 : index
    %get3A_479 = tpu.vector_load %arg13[%get3A_478] {strides = array<i32>} : memref<1024xi32, #tpu.memory_space<vmem>>, vector<16xi32>,
    %add3A_480 = arith.addi %add3A_473, %get3A_479 : vector<16xi32>
    %gt3A_481 = arith.constant 4 : i32
    %gt3A_482 = arith.cmpi sgt, %arg1, %gt3A_481 : i32
    %select_n3A_483 = arith.select %gt3A_482, %get3A_479, %broadcast_in_dim3A_23 : vector<16xi32>
    %add3A_484 = arith.addi %add3A_477, %select_n3A_483 : vector<16xi32>
    %get3A_485 = arith.constant 368 : index
    %get3A_486 = tpu.vector_load %arg13[%get3A_485] {strides = array<i32>} : memref<1024xi32, #tpu.memory_space<vmem>>, vector<16xi32>,
    %add3A_487 = arith.addi %add3A_480, %get3A_486 : vector<16xi32>
    %gt3A_488 = arith.constant 5 : i32
    %gt3A_489 = arith.cmpi sgt, %arg1, %gt3A_488 : i32
    %select_n3A_490 = arith.select %gt3A_489, %get3A_486, %broadcast_in_dim3A_23 : vector<16xi32>
    %add3A_491 = arith.addi %add3A_484, %select_n3A_490 : vector<16xi32>
    %get3A_492 = arith.constant 432 : index
    %get3A_493 = tpu.vector_load %arg13[%get3A_492] {strides = array<i32>} : memref<1024xi32, #tpu.memory_space<vmem>>, vector<16xi32>,
    %add3A_494 = arith.addi %add3A_487, %get3A_493 : vector<16xi32>
    %gt3A_495 = arith.constant 6 : i32
    %gt3A_496 = arith.cmpi sgt, %arg1, %gt3A_495 : i32
    %select_n3A_497 = arith.select %gt3A_496, %get3A_493, %broadcast_in_dim3A_23 : vector<16xi32>
    %add3A_498 = arith.addi %add3A_491, %select_n3A_497 : vector<16xi32>
    %get3A_499 = arith.constant 496 : index
    %get3A_500 = tpu.vector_load %arg13[%get3A_499] {strides = array<i32>} : memref<1024xi32, #tpu.memory_space<vmem>>, vector<16xi32>,
    %add3A_501 = arith.addi %add3A_494, %get3A_500 : vector<16xi32>
    %gt3A_502 = arith.constant 7 : i32
    %gt3A_503 = arith.cmpi sgt, %arg1, %gt3A_502 : i32
    %select_n3A_504 = arith.select %gt3A_503, %get3A_500, %broadcast_in_dim3A_23 : vector<16xi32>
    %add3A_505 = arith.addi %add3A_498, %select_n3A_504 : vector<16xi32>
    %get3A_506 = arith.constant 560 : index
    %get3A_507 = tpu.vector_load %arg13[%get3A_506] {strides = array<i32>} : memref<1024xi32, #tpu.memory_space<vmem>>, vector<16xi32>,
    %add3A_508 = arith.addi %add3A_501, %get3A_507 : vector<16xi32>
    %gt3A_509 = arith.constant 8 : i32
    %gt3A_510 = arith.cmpi sgt, %arg1, %gt3A_509 : i32
    %select_n3A_511 = arith.select %gt3A_510, %get3A_507, %broadcast_in_dim3A_23 : vector<16xi32>
    %add3A_512 = arith.addi %add3A_505, %select_n3A_511 : vector<16xi32>
    %get3A_513 = arith.constant 624 : index
    %get3A_514 = tpu.vector_load %arg13[%get3A_513] {strides = array<i32>} : memref<1024xi32, #tpu.memory_space<vmem>>, vector<16xi32>,
    %add3A_515 = arith.addi %add3A_508, %get3A_514 : vector<16xi32>
    %gt3A_516 = arith.constant 9 : i32
    %gt3A_517 = arith.cmpi sgt, %arg1, %gt3A_516 : i32
    %select_n3A_518 = arith.select %gt3A_517, %get3A_514, %broadcast_in_dim3A_23 : vector<16xi32>
    %add3A_519 = arith.addi %add3A_512, %select_n3A_518 : vector<16xi32>
    %get3A_520 = arith.constant 688 : index
    %get3A_521 = tpu.vector_load %arg13[%get3A_520] {strides = array<i32>} : memref<1024xi32, #tpu.memory_space<vmem>>, vector<16xi32>,
    %add3A_522 = arith.addi %add3A_515, %get3A_521 : vector<16xi32>
    %gt3A_523 = arith.constant 10 : i32
    %gt3A_524 = arith.cmpi sgt, %arg1, %gt3A_523 : i32
    %select_n3A_525 = arith.select %gt3A_524, %get3A_521, %broadcast_in_dim3A_23 : vector<16xi32>
    %add3A_526 = arith.addi %add3A_519, %select_n3A_525 : vector<16xi32>
    %get3A_527 = arith.constant 752 : index
    %get3A_528 = tpu.vector_load %arg13[%get3A_527] {strides = array<i32>} : memref<1024xi32, #tpu.memory_space<vmem>>, vector<16xi32>,
    %add3A_529 = arith.addi %add3A_522, %get3A_528 : vector<16xi32>
    %gt3A_530 = arith.constant 11 : i32
    %gt3A_531 = arith.cmpi sgt, %arg1, %gt3A_530 : i32
    %select_n3A_532 = arith.select %gt3A_531, %get3A_528, %broadcast_in_dim3A_23 : vector<16xi32>
    %add3A_533 = arith.addi %add3A_526, %select_n3A_532 : vector<16xi32>
    %get3A_534 = arith.constant 816 : index
    %get3A_535 = tpu.vector_load %arg13[%get3A_534] {strides = array<i32>} : memref<1024xi32, #tpu.memory_space<vmem>>, vector<16xi32>,
    %add3A_536 = arith.addi %add3A_529, %get3A_535 : vector<16xi32>
    %gt3A_537 = arith.constant 12 : i32
    %gt3A_538 = arith.cmpi sgt, %arg1, %gt3A_537 : i32
    %select_n3A_539 = arith.select %gt3A_538, %get3A_535, %broadcast_in_dim3A_23 : vector<16xi32>
    %add3A_540 = arith.addi %add3A_533, %select_n3A_539 : vector<16xi32>
    %get3A_541 = arith.constant 880 : index
    %get3A_542 = tpu.vector_load %arg13[%get3A_541] {strides = array<i32>} : memref<1024xi32, #tpu.memory_space<vmem>>, vector<16xi32>,
    %add3A_543 = arith.addi %add3A_536, %get3A_542 : vector<16xi32>
    %gt3A_544 = arith.constant 13 : i32
    %gt3A_545 = arith.cmpi sgt, %arg1, %gt3A_544 : i32
    %select_n3A_546 = arith.select %gt3A_545, %get3A_542, %broadcast_in_dim3A_23 : vector<16xi32>
    %add3A_547 = arith.addi %add3A_540, %select_n3A_546 : vector<16xi32>
    %get3A_548 = arith.constant 944 : index
    %get3A_549 = tpu.vector_load %arg13[%get3A_548] {strides = array<i32>} : memref<1024xi32, #tpu.memory_space<vmem>>, vector<16xi32>,
    %add3A_550 = arith.addi %add3A_543, %get3A_549 : vector<16xi32>
    %gt3A_551 = arith.constant 14 : i32
    %gt3A_552 = arith.cmpi sgt, %arg1, %gt3A_551 : i32
    %select_n3A_553 = arith.select %gt3A_552, %get3A_549, %broadcast_in_dim3A_23 : vector<16xi32>
    %add3A_554 = arith.addi %add3A_547, %select_n3A_553 : vector<16xi32>
    %get3A_555 = arith.constant 1008 : index
    %get3A_556 = tpu.vector_load %arg13[%get3A_555] {strides = array<i32>} : memref<1024xi32, #tpu.memory_space<vmem>>, vector<16xi32>,
    %add3A_557 = arith.addi %add3A_550, %get3A_556 : vector<16xi32>
    %gt3A_558 = arith.constant 15 : i32
    %gt3A_559 = arith.cmpi sgt, %arg1, %gt3A_558 : i32
    %select_n3A_560 = arith.select %gt3A_559, %get3A_556, %broadcast_in_dim3A_23 : vector<16xi32>
    %add3A_561 = arith.addi %add3A_554, %select_n3A_560 : vector<16xi32>
    %swap3A_562 = arith.constant 48 : index
    %swap3A_563 = tpu.vector_load %arg14[%swap3A_562] {strides = array<i32>} : memref<64xi32, #tpu.memory_space<vmem>>, vector<16xi32>,
    tpu.vector_store %arg14[%swap3A_562], %add3A_557 {strides = array<i32>} : memref<64xi32, #tpu.memory_space<vmem>>, vector<16xi32>,
    %swap3A_564 = arith.constant 48 : index
    %swap3A_565 = tpu.vector_load %arg15[%swap3A_564] {strides = array<i32>} : memref<64xi32, #tpu.memory_space<vmem>>, vector<16xi32>,
    tpu.vector_store %arg15[%swap3A_564], %add3A_561 {strides = array<i32>} : memref<64xi32, #tpu.memory_space<vmem>>, vector<16xi32>,
    %get3A_566 = arith.constant 0 : index
    %get3A_567 = tpu.vector_load %arg14[%get3A_566] {strides = array<i32>} : memref<64xi32, #tpu.memory_space<vmem>>, vector<16xi32>,
    %broadcast_in_dim3A_568 = arith.constant true
    %broadcast_in_dim3A_569 = vector.broadcast %broadcast_in_dim3A_568 : i1 to vector<16xi1>
    %masked_cumsum3A = tpu.scan <sum>, %get3A_567 masked %broadcast_in_dim3A_569 : vector<16xi32>, vector<16xi1> -> vector<16xi32>
    %get3A_570 = arith.constant 0 : index
    %get3A_571 = tpu.vector_load %arg15[%get3A_570] {strides = array<i32>} : memref<64xi32, #tpu.memory_space<vmem>>, vector<16xi32>,
    %sub3A = arith.subi %masked_cumsum3A, %get3A_567 : vector<16xi32>
    %add3A_572 = arith.addi %get3A_571, %sub3A : vector<16xi32>
    %add3A_573 = arith.constant 0 : i32
    %add3A_574 = vector.broadcast %add3A_573 : i32 to vector<16xi32>
    %add3A_575 = arith.addi %add3A_572, %add3A_574 : vector<16xi32>
    %swap3A_576 = arith.constant 0 : index
    %swap3A_577 = tpu.vector_load %arg15[%swap3A_576] {strides = array<i32>} : memref<64xi32, #tpu.memory_space<vmem>>, vector<16xi32>,
    tpu.vector_store %arg15[%swap3A_576], %add3A_575 {strides = array<i32>} : memref<64xi32, #tpu.memory_space<vmem>>, vector<16xi32>,
    %reduce_sum3A = arith.constant true
    %reduce_sum3A_578 = vector.broadcast %reduce_sum3A : i1 to vector<16xi1>
    %reduce_sum3A_579 = tpu.scan <sum>, %get3A_567 masked %reduce_sum3A_578 : vector<16xi32>, vector<16xi1> -> vector<16xi32>
    %reduce_sum3A_580 = vector.extract %reduce_sum3A_579[15] : i32 from vector<16xi32>
    %add3A_581 = arith.constant 0 : i32
    %add3A_582 = arith.addi %add3A_581, %reduce_sum3A_580 : i32
    %get3A_583 = arith.constant 16 : index
    %get3A_584 = tpu.vector_load %arg14[%get3A_583] {strides = array<i32>} : memref<64xi32, #tpu.memory_space<vmem>>, vector<16xi32>,
    %broadcast_in_dim3A_585 = arith.constant true
    %broadcast_in_dim3A_586 = vector.broadcast %broadcast_in_dim3A_585 : i1 to vector<16xi1>
    %masked_cumsum3A_587 = tpu.scan <sum>, %get3A_584 masked %broadcast_in_dim3A_586 : vector<16xi32>, vector<16xi1> -> vector<16xi32>
    %get3A_588 = arith.constant 16 : index
    %get3A_589 = tpu.vector_load %arg15[%get3A_588] {strides = array<i32>} : memref<64xi32, #tpu.memory_space<vmem>>, vector<16xi32>,
    %sub3A_590 = arith.subi %masked_cumsum3A_587, %get3A_584 : vector<16xi32>
    %add3A_591 = arith.addi %get3A_589, %sub3A_590 : vector<16xi32>
    %add3A_592 = vector.broadcast %add3A_582 : i32 to vector<16xi32>
    %add3A_593 = arith.addi %add3A_591, %add3A_592 : vector<16xi32>
    %swap3A_594 = arith.constant 16 : index
    %swap3A_595 = tpu.vector_load %arg15[%swap3A_594] {strides = array<i32>} : memref<64xi32, #tpu.memory_space<vmem>>, vector<16xi32>,
    tpu.vector_store %arg15[%swap3A_594], %add3A_593 {strides = array<i32>} : memref<64xi32, #tpu.memory_space<vmem>>, vector<16xi32>,
    %reduce_sum3A_596 = arith.constant true
    %reduce_sum3A_597 = vector.broadcast %reduce_sum3A_596 : i1 to vector<16xi1>
    %reduce_sum3A_598 = tpu.scan <sum>, %get3A_584 masked %reduce_sum3A_597 : vector<16xi32>, vector<16xi1> -> vector<16xi32>
    %reduce_sum3A_599 = vector.extract %reduce_sum3A_598[15] : i32 from vector<16xi32>
    %add3A_600 = arith.addi %add3A_582, %reduce_sum3A_599 : i32
    %get3A_601 = arith.constant 32 : index
    %get3A_602 = tpu.vector_load %arg14[%get3A_601] {strides = array<i32>} : memref<64xi32, #tpu.memory_space<vmem>>, vector<16xi32>,
    %broadcast_in_dim3A_603 = arith.constant true
    %broadcast_in_dim3A_604 = vector.broadcast %broadcast_in_dim3A_603 : i1 to vector<16xi1>
    %masked_cumsum3A_605 = tpu.scan <sum>, %get3A_602 masked %broadcast_in_dim3A_604 : vector<16xi32>, vector<16xi1> -> vector<16xi32>
    %get3A_606 = arith.constant 32 : index
    %get3A_607 = tpu.vector_load %arg15[%get3A_606] {strides = array<i32>} : memref<64xi32, #tpu.memory_space<vmem>>, vector<16xi32>,
    %sub3A_608 = arith.subi %masked_cumsum3A_605, %get3A_602 : vector<16xi32>
    %add3A_609 = arith.addi %get3A_607, %sub3A_608 : vector<16xi32>
    %add3A_610 = vector.broadcast %add3A_600 : i32 to vector<16xi32>
    %add3A_611 = arith.addi %add3A_609, %add3A_610 : vector<16xi32>
    %swap3A_612 = arith.constant 32 : index
    %swap3A_613 = tpu.vector_load %arg15[%swap3A_612] {strides = array<i32>} : memref<64xi32, #tpu.memory_space<vmem>>, vector<16xi32>,
    tpu.vector_store %arg15[%swap3A_612], %add3A_611 {strides = array<i32>} : memref<64xi32, #tpu.memory_space<vmem>>, vector<16xi32>,
    %reduce_sum3A_614 = arith.constant true
    %reduce_sum3A_615 = vector.broadcast %reduce_sum3A_614 : i1 to vector<16xi1>
    %reduce_sum3A_616 = tpu.scan <sum>, %get3A_602 masked %reduce_sum3A_615 : vector<16xi32>, vector<16xi1> -> vector<16xi32>
    %reduce_sum3A_617 = vector.extract %reduce_sum3A_616[15] : i32 from vector<16xi32>
    %add3A_618 = arith.addi %add3A_600, %reduce_sum3A_617 : i32
    %get3A_619 = arith.constant 48 : index
    %get3A_620 = tpu.vector_load %arg14[%get3A_619] {strides = array<i32>} : memref<64xi32, #tpu.memory_space<vmem>>, vector<16xi32>,
    %broadcast_in_dim3A_621 = arith.constant true
    %broadcast_in_dim3A_622 = vector.broadcast %broadcast_in_dim3A_621 : i1 to vector<16xi1>
    %masked_cumsum3A_623 = tpu.scan <sum>, %get3A_620 masked %broadcast_in_dim3A_622 : vector<16xi32>, vector<16xi1> -> vector<16xi32>
    %get3A_624 = arith.constant 48 : index
    %get3A_625 = tpu.vector_load %arg15[%get3A_624] {strides = array<i32>} : memref<64xi32, #tpu.memory_space<vmem>>, vector<16xi32>,
    %sub3A_626 = arith.subi %masked_cumsum3A_623, %get3A_620 : vector<16xi32>
    %add3A_627 = arith.addi %get3A_625, %sub3A_626 : vector<16xi32>
    %add3A_628 = vector.broadcast %add3A_618 : i32 to vector<16xi32>
    %add3A_629 = arith.addi %add3A_627, %add3A_628 : vector<16xi32>
    %swap3A_630 = arith.constant 48 : index
    %swap3A_631 = tpu.vector_load %arg15[%swap3A_630] {strides = array<i32>} : memref<64xi32, #tpu.memory_space<vmem>>, vector<16xi32>,
    tpu.vector_store %arg15[%swap3A_630], %add3A_629 {strides = array<i32>} : memref<64xi32, #tpu.memory_space<vmem>>, vector<16xi32>,
    %reduce_sum3A_632 = arith.constant true
    %reduce_sum3A_633 = vector.broadcast %reduce_sum3A_632 : i1 to vector<16xi1>
    %reduce_sum3A_634 = tpu.scan <sum>, %get3A_620 masked %reduce_sum3A_633 : vector<16xi32>, vector<16xi1> -> vector<16xi32>
    %reduce_sum3A_635 = vector.extract %reduce_sum3A_634[15] : i32 from vector<16xi32>
    %add3A_636 = arith.addi %add3A_618, %reduce_sum3A_635 : i32
    %eq3A = arith.constant 0 : i32
    %eq3A_637 = arith.cmpi eq, %add3A, %eq3A : i32
    %convert_element_type3A = arith.extui %eq3A_637 : i1 to i32
    %cond3A = arith.constant 0 : i32
    %cond3A_638 = arith.cmpi ne, %convert_element_type3A, %cond3A : i32
    scf.if %cond3A_638 {
      "tpu.region"() ({
        %run_scoped3A = tpu.sem_alloc : memref<!tpu.dma_semaphore, #tpu.memory_space<semaphore_mem>>
        tpu.enqueue_dma source(%arg14 : memref<64xi32, #tpu.memory_space<vmem>>) target(%arg5 : memref<64xi32, #tpu.memory_space<hbm>>) target_semaphore(%run_scoped3A : memref<!tpu.dma_semaphore, #tpu.memory_space<semaphore_mem>>)
        tpu.wait_dma2 semaphore(%run_scoped3A : memref<!tpu.dma_semaphore, #tpu.memory_space<semaphore_mem>>) src(%arg14 : memref<64xi32, #tpu.memory_space<vmem>>) dst(%arg5 : memref<64xi32, #tpu.memory_space<hbm>>)
        tpu.yield
      }) : () -> ()
    } else {
    }
    %scan3A_639 = arith.constant 0 : i32
    %scan3A_640 = arith.constant 0 : i32
    %scan3A_641 = arith.constant 64 : i32
    %scan3A_642 = arith.addi %scan3A_640, %scan3A_641 : i32
    %scan3A_643 = arith.constant 1 : i32
    scf.for %scan3A_676 = %scan3A_640 to %scan3A_642 step %scan3A_643  : i32 {
      %mul3A_677 = arith.constant 16 : i32
      %mul3A_678 = arith.muli %scan3A_676, %mul3A_677 : i32
      %add3A_679 = vector.broadcast %mul3A_678 : i32 to vector<16xi32>
      %add3A_680 = arith.addi %add3A_679, %iota3A : vector<16xi32>
      %mul3A_681 = arith.constant 16 : i32
      %mul3A_682 = arith.muli %scan3A_676, %mul3A_681 : i32
      %get3A_683 = arith.index_cast %mul3A_682 : i32 to index
      %get3A_684 = tpu.vector_load %arg7[%get3A_683] {strides = array<i32>} : memref<1024xi32, #tpu.memory_space<vmem>>, vector<16xi32>,
      %jit3A = arith.constant 64 : i32
      %div3A = vector.broadcast %jit3A : i32 to vector<16xi32>
      %div3A_685 = arith.divsi %add3A_680, %div3A : vector<16xi32>
      %sign3A = arith.constant 0 : i32
      %sign3A_686 = vector.broadcast %sign3A : i32 to vector<16xi32>
      %sign3A_687 = arith.cmpi sgt, %add3A_680, %sign3A_686 : vector<16xi32>
      %sign3A_688 = arith.extui %sign3A_687 : vector<16xi1> to vector<16xi32>
      %sign3A_689 = arith.constant 0 : i32
      %sign3A_690 = vector.broadcast %sign3A_689 : i32 to vector<16xi32>
      %sign3A_691 = arith.cmpi slt, %add3A_680, %sign3A_690 : vector<16xi32>
      %sign3A_692 = arith.extui %sign3A_691 : vector<16xi1> to vector<16xi32>
      %sign3A_693 = arith.subi %sign3A_688, %sign3A_692 : vector<16xi32>
      %sign3A_694 = arith.constant 0 : i32
      %sign3A_695 = arith.cmpi sgt, %jit3A, %sign3A_694 : i32
      %sign3A_696 = arith.extui %sign3A_695 : i1 to i32
      %sign3A_697 = arith.constant 0 : i32
      %sign3A_698 = arith.cmpi slt, %jit3A, %sign3A_697 : i32
      %sign3A_699 = arith.extui %sign3A_698 : i1 to i32
      %sign3A_700 = arith.subi %sign3A_696, %sign3A_699 : i32
      %ne3A = vector.broadcast %sign3A_700 : i32 to vector<16xi32>
      %ne3A_701 = arith.cmpi ne, %sign3A_693, %ne3A : vector<16xi32>
      %rem3A = vector.broadcast %jit3A : i32 to vector<16xi32>
      %rem3A_702 = arith.remsi %add3A_680, %rem3A : vector<16xi32>
      %ne3A_703 = arith.constant 0 : i32
      %ne3A_704 = vector.broadcast %ne3A_703 : i32 to vector<16xi32>
      %ne3A_705 = arith.cmpi ne, %rem3A_702, %ne3A_704 : vector<16xi32>
      %and3A = arith.andi %ne3A_701, %ne3A_705 : vector<16xi1>
      %sub3A_706 = arith.constant 1 : i32
      %sub3A_707 = vector.broadcast %sub3A_706 : i32 to vector<16xi32>
      %sub3A_708 = arith.subi %div3A_685, %sub3A_707 : vector<16xi32>
      %select_n3A_709 = arith.select %and3A, %sub3A_708, %div3A_685 : vector<16xi1>, vector<16xi32>
      %mul3A_710 = arith.constant 16 : i32
      %mul3A_711 = arith.muli %scan3A_676, %mul3A_710 : i32
      %get3A_712 = arith.index_cast %mul3A_711 : i32 to index
      %get3A_713 = tpu.vector_load %arg9[%get3A_712] {strides = array<i32>} : memref<1024xi32, #tpu.memory_space<vmem>>, vector<16xi32>,
      %mul3A_714 = arith.constant 16 : i32
      %mul3A_715 = vector.broadcast %mul3A_714 : i32 to vector<16xi32>
      %mul3A_716 = arith.muli %get3A_684, %mul3A_715 : vector<16xi32>
      %add3A_717 = arith.addi %mul3A_716, %select_n3A_709 : vector<16xi32>
      %gather3A_718 = tpu.vector_load_idx %arg10[%add3A_717] : memref<1024xi32, #tpu.memory_space<vmem>>[vector<16xi32>], vector<16xi32>,
      %add3A_719 = arith.addi %get3A_713, %gather3A_718 : vector<16xi32>
      %gather3A_720 = tpu.vector_load_idx %arg15[%get3A_684] : memref<64xi32, #tpu.memory_space<vmem>>[vector<16xi32>], vector<16xi32>,
      %add3A_721 = arith.addi %add3A_719, %gather3A_720 : vector<16xi32>
      %mul3A_722 = arith.constant 16 : i32
      %mul3A_723 = arith.muli %scan3A_676, %mul3A_722 : i32
      %swap3A_724 = arith.index_cast %mul3A_723 : i32 to index
      %swap3A_725 = tpu.vector_load %arg16[%swap3A_724] {strides = array<i32>} : memref<1024xi32, #tpu.memory_space<vmem>>, vector<16xi32>,
      tpu.vector_store %arg16[%swap3A_724], %add3A_721 {strides = array<i32>} : memref<1024xi32, #tpu.memory_space<vmem>>, vector<16xi32>,
    }
    %scan3A_644 = arith.constant 64 : i32
    "tpu.region"() ({
      %run_scoped3A = tpu.sem_alloc : memref<!tpu.dma_semaphore, #tpu.memory_space<semaphore_mem>>
      %dma_start3A_676 = tpu.memref_slice %arg16[%mul3A_4] : memref<1024xi32, #tpu.memory_space<vmem>> -> memref<512xi32, #tpu.memory_space<vmem>>
      %dma_start3A_677 = tpu.memref_slice %arg6[%add3A_5] : memref<16384xi32, #tpu.memory_space<hbm>> -> memref<512xi32, #tpu.memory_space<hbm>>
      %dma_start3A_678 = tpu.memref_slice %arg6[%add3A_5] : memref<16384xi32, #tpu.memory_space<hbm>> -> memref<512xi32, #tpu.memory_space<hbm>>
      %dma_start3A_679 = tpu.memref_slice %arg16[%mul3A_4] : memref<1024xi32, #tpu.memory_space<vmem>> -> memref<512xi32, #tpu.memory_space<vmem>>
      tpu.enqueue_dma source(%dma_start3A_679 : memref<512xi32, #tpu.memory_space<vmem>>) target(%dma_start3A_678 : memref<512xi32, #tpu.memory_space<hbm>>) target_semaphore(%run_scoped3A : memref<!tpu.dma_semaphore, #tpu.memory_space<semaphore_mem>>)
      %dma_wait3A_680 = tpu.memref_slice %arg16[%mul3A_4] : memref<1024xi32, #tpu.memory_space<vmem>> -> memref<512xi32, #tpu.memory_space<vmem>>
      %dma_wait3A_681 = tpu.memref_slice %arg6[%add3A_5] : memref<16384xi32, #tpu.memory_space<hbm>> -> memref<512xi32, #tpu.memory_space<hbm>>
      %dma_wait3A_682 = tpu.memref_slice %arg6[%add3A_5] : memref<16384xi32, #tpu.memory_space<hbm>> -> memref<512xi32, #tpu.memory_space<hbm>>
      %dma_wait3A_683 = tpu.memref_slice %arg16[%mul3A_4] : memref<1024xi32, #tpu.memory_space<vmem>> -> memref<512xi32, #tpu.memory_space<vmem>>
      tpu.wait_dma2 semaphore(%run_scoped3A : memref<!tpu.dma_semaphore, #tpu.memory_space<semaphore_mem>>) src(%dma_wait3A_683 : memref<512xi32, #tpu.memory_space<vmem>>) dst(%dma_wait3A_682 : memref<512xi32, #tpu.memory_space<hbm>>)
      tpu.yield
    }) : () -> ()
    %scan3A_645 = arith.constant 0 : i32
    %scan3A_646 = arith.constant 0 : i32
    %scan3A_647 = arith.constant 32 : i32
    %scan3A_648 = arith.addi %scan3A_646, %scan3A_647 : i32
    %scan3A_649 = arith.constant 1 : i32
    scf.for %scan3A_676 = %scan3A_646 to %scan3A_648 step %scan3A_649  : i32 {
      %mul3A_677 = arith.constant 16 : i32
      %mul3A_678 = arith.muli %scan3A_676, %mul3A_677 : i32
      %add3A_679 = vector.broadcast %mul3A_678 : i32 to vector<16xi32>
      %add3A_680 = arith.addi %add3A_679, %iota3A : vector<16xi32>
      %mul3A_681 = arith.constant 16 : i32
      %mul3A_682 = arith.muli %scan3A_676, %mul3A_681 : i32
      %add3A_683 = arith.addi %mul3A_4, %mul3A_682 : i32
      %get3A_684 = arith.index_cast %add3A_683 : i32 to index
      %get3A_685 = tpu.vector_load %arg16[%get3A_684] {strides = array<i32>} : memref<1024xi32, #tpu.memory_space<vmem>>, vector<16xi32>,
      %jit3A = arith.constant 8 : i32
      %div3A = vector.broadcast %jit3A : i32 to vector<16xi32>
      %div3A_686 = arith.divsi %add3A_680, %div3A : vector<16xi32>
      %sign3A = arith.constant 0 : i32
      %sign3A_687 = vector.broadcast %sign3A : i32 to vector<16xi32>
      %sign3A_688 = arith.cmpi sgt, %add3A_680, %sign3A_687 : vector<16xi32>
      %sign3A_689 = arith.extui %sign3A_688 : vector<16xi1> to vector<16xi32>
      %sign3A_690 = arith.constant 0 : i32
      %sign3A_691 = vector.broadcast %sign3A_690 : i32 to vector<16xi32>
      %sign3A_692 = arith.cmpi slt, %add3A_680, %sign3A_691 : vector<16xi32>
      %sign3A_693 = arith.extui %sign3A_692 : vector<16xi1> to vector<16xi32>
      %sign3A_694 = arith.subi %sign3A_689, %sign3A_693 : vector<16xi32>
      %sign3A_695 = arith.constant 0 : i32
      %sign3A_696 = arith.cmpi sgt, %jit3A, %sign3A_695 : i32
      %sign3A_697 = arith.extui %sign3A_696 : i1 to i32
      %sign3A_698 = arith.constant 0 : i32
      %sign3A_699 = arith.cmpi slt, %jit3A, %sign3A_698 : i32
      %sign3A_700 = arith.extui %sign3A_699 : i1 to i32
      %sign3A_701 = arith.subi %sign3A_697, %sign3A_700 : i32
      %ne3A = vector.broadcast %sign3A_701 : i32 to vector<16xi32>
      %ne3A_702 = arith.cmpi ne, %sign3A_694, %ne3A : vector<16xi32>
      %rem3A = vector.broadcast %jit3A : i32 to vector<16xi32>
      %rem3A_703 = arith.remsi %add3A_680, %rem3A : vector<16xi32>
      %ne3A_704 = arith.constant 0 : i32
      %ne3A_705 = vector.broadcast %ne3A_704 : i32 to vector<16xi32>
      %ne3A_706 = arith.cmpi ne, %rem3A_703, %ne3A_705 : vector<16xi32>
      %and3A = arith.andi %ne3A_702, %ne3A_706 : vector<16xi1>
      %sub3A_707 = arith.constant 1 : i32
      %sub3A_708 = vector.broadcast %sub3A_707 : i32 to vector<16xi32>
      %sub3A_709 = arith.subi %div3A_686, %sub3A_708 : vector<16xi32>
      %select_n3A_710 = arith.select %and3A, %sub3A_709, %div3A_686 : vector<16xi1>, vector<16xi32>
      %jit3A_711 = arith.constant 8 : i32
      %eq3A_712 = arith.constant 0 : i32
      %eq3A_713 = arith.cmpi eq, %jit3A_711, %eq3A_712 : i32
      %jit3A_714 = arith.constant 1 : i32
      %select_n3A_715 = arith.select %eq3A_713, %jit3A_714, %jit3A_711 : i32
      %rem3A_716 = vector.broadcast %select_n3A_715 : i32 to vector<16xi32>
      %rem3A_717 = arith.remsi %add3A_680, %rem3A_716 : vector<16xi32>
      %ne3A_718 = arith.constant 0 : i32
      %ne3A_719 = vector.broadcast %ne3A_718 : i32 to vector<16xi32>
      %ne3A_720 = arith.cmpi ne, %rem3A_717, %ne3A_719 : vector<16xi32>
      %lt3A = arith.constant 0 : i32
      %lt3A_721 = vector.broadcast %lt3A : i32 to vector<16xi32>
      %lt3A_722 = arith.cmpi slt, %rem3A_717, %lt3A_721 : vector<16xi32>
      %lt3A_723 = arith.constant 0 : i32
      %lt3A_724 = arith.cmpi slt, %select_n3A_715, %lt3A_723 : i32
      %ne3A_725 = vector.broadcast %lt3A_724 : i1 to vector<16xi1>
      %ne3A_726 = vector.broadcast %ne3A_725 : vector<16xi1> to vector<16xi1>
      %ne3A_727 = arith.xori %lt3A_722, %ne3A_726 : vector<16xi1>
      %and3A_728 = arith.andi %ne3A_727, %ne3A_720 : vector<16xi1>
      %add3A_729 = vector.broadcast %select_n3A_715 : i32 to vector<16xi32>
      %add3A_730 = arith.addi %rem3A_717, %add3A_729 : vector<16xi32>
      %select_n3A_731 = arith.select %and3A_728, %add3A_730, %rem3A_717 : vector<16xi1>, vector<16xi32>
      tpu.vector_store_idx %arg17[%select_n3A_710, %select_n3A_731], %get3A_685 : memref<64x8xi32, #tpu.memory_space<vmem>>[vector<16xi32>, vector<16xi32>], vector<16xi32>,
    }
    %scan3A_650 = arith.constant 32 : i32
    %scan3A_651 = arith.constant 0 : i32
    %scan3A_652 = arith.constant 0 : i32
    %scan3A_653 = arith.constant 21 : i32
    %scan3A_654 = arith.addi %scan3A_652, %scan3A_653 : i32
    %scan3A_655 = arith.constant 1 : i32
    scf.for %scan3A_676 = %scan3A_652 to %scan3A_654 step %scan3A_655  : i32 {
      %mul3A_677 = arith.constant 3 : i32
      %mul3A_678 = arith.muli %scan3A_676, %mul3A_677 : i32
      %add3A_679 = arith.constant 0 : i32
      %add3A_680 = arith.addi %mul3A_678, %add3A_679 : i32
      %mul3A_681 = arith.constant 3 : i32
      %mul3A_682 = arith.muli %scan3A_676, %mul3A_681 : i32
      %add3A_683 = arith.constant 1 : i32
      %add3A_684 = arith.addi %mul3A_682, %add3A_683 : i32
      %mul3A_685 = arith.constant 3 : i32
      %mul3A_686 = arith.muli %scan3A_676, %mul3A_685 : i32
      %add3A_687 = arith.constant 2 : i32
      %add3A_688 = arith.addi %mul3A_686, %add3A_687 : i32
      %mul3A_689 = arith.constant 8 : i32
      %mul3A_690 = arith.muli %add3A_680, %mul3A_689 : i32
      %add3A_691 = arith.addi %add3A_5, %mul3A_690 : i32
      %dma_wait3A_692 = arith.constant 0 : i32
      %dma_wait3A_693 = tpu.memref_slice %arg2[%add3A_691, %dma_wait3A_692] : memref<16384x4096xf32, #tpu.memory_space<hbm>> -> memref<8x4096xf32, #tpu.memory_space<hbm>>
      %dma_wait3A_694 = arith.constant 0 : i32
      %dma_wait3A_695 = tpu.memref_slice %arg2[%add3A_691, %dma_wait3A_694] : memref<16384x4096xf32, #tpu.memory_space<hbm>> -> memref<8x4096xf32, #tpu.memory_space<hbm>>
      tpu.wait_dma2 semaphore(%arg22 : memref<!tpu.dma_semaphore, #tpu.memory_space<semaphore_mem>>) src(%dma_wait3A_695 : memref<8x4096xf32, #tpu.memory_space<hbm>>) dst(%arg18 : memref<8x4096xf32, #tpu.memory_space<vmem>>)
      %dma_start3A_696 = arith.constant 0 : i32
      %dma_start3A_697 = tpu.memref_slice %arg17[%add3A_680, %dma_start3A_696] : memref<64x8xi32, #tpu.memory_space<vmem>> -> memref<1x8xi32, #tpu.memory_space<vmem>>
      %dma_start3A_698 = tpu.memref_squeeze %dma_start3A_697 : memref<1x8xi32, #tpu.memory_space<vmem>> -> memref<8xi32, #tpu.memory_space<vmem>>
      %dma_start3A_699 = arith.constant 0 : i32
      %dma_start3A_700 = arith.constant 0 : i32
      %dma_start3A_701 = tpu.memref_slice %arg4[%dma_start3A_699, %dma_start3A_700] : memref<16384x4096xf32, #tpu.memory_space<hbm>> -> memref<16384x4096xf32, #tpu.memory_space<hbm>>
      tpu.enqueue_indirect_dma source(%arg18 : memref<8x4096xf32, #tpu.memory_space<vmem>>) target(%dma_start3A_701 : memref<16384x4096xf32, #tpu.memory_space<hbm>>) offsets(%dma_start3A_698 : memref<8xi32, #tpu.memory_space<vmem>>) semaphore(%arg25 : memref<!tpu.dma_semaphore, #tpu.memory_space<semaphore_mem>>)
      %mul3A_702 = arith.constant 8 : i32
      %mul3A_703 = arith.muli %add3A_684, %mul3A_702 : i32
      %add3A_704 = arith.addi %add3A_5, %mul3A_703 : i32
      %dma_wait3A_705 = arith.constant 0 : i32
      %dma_wait3A_706 = tpu.memref_slice %arg2[%add3A_704, %dma_wait3A_705] : memref<16384x4096xf32, #tpu.memory_space<hbm>> -> memref<8x4096xf32, #tpu.memory_space<hbm>>
      %dma_wait3A_707 = arith.constant 0 : i32
      %dma_wait3A_708 = tpu.memref_slice %arg2[%add3A_704, %dma_wait3A_707] : memref<16384x4096xf32, #tpu.memory_space<hbm>> -> memref<8x4096xf32, #tpu.memory_space<hbm>>
      tpu.wait_dma2 semaphore(%arg23 : memref<!tpu.dma_semaphore, #tpu.memory_space<semaphore_mem>>) src(%dma_wait3A_708 : memref<8x4096xf32, #tpu.memory_space<hbm>>) dst(%arg19 : memref<8x4096xf32, #tpu.memory_space<vmem>>)
      %dma_start3A_709 = arith.constant 0 : i32
      %dma_start3A_710 = tpu.memref_slice %arg17[%add3A_684, %dma_start3A_709] : memref<64x8xi32, #tpu.memory_space<vmem>> -> memref<1x8xi32, #tpu.memory_space<vmem>>
      %dma_start3A_711 = tpu.memref_squeeze %dma_start3A_710 : memref<1x8xi32, #tpu.memory_space<vmem>> -> memref<8xi32, #tpu.memory_space<vmem>>
      %dma_start3A_712 = arith.constant 0 : i32
      %dma_start3A_713 = arith.constant 0 : i32
      %dma_start3A_714 = tpu.memref_slice %arg4[%dma_start3A_712, %dma_start3A_713] : memref<16384x4096xf32, #tpu.memory_space<hbm>> -> memref<16384x4096xf32, #tpu.memory_space<hbm>>
      tpu.enqueue_indirect_dma source(%arg19 : memref<8x4096xf32, #tpu.memory_space<vmem>>) target(%dma_start3A_714 : memref<16384x4096xf32, #tpu.memory_space<hbm>>) offsets(%dma_start3A_711 : memref<8xi32, #tpu.memory_space<vmem>>) semaphore(%arg26 : memref<!tpu.dma_semaphore, #tpu.memory_space<semaphore_mem>>)
      %mul3A_715 = arith.constant 8 : i32
      %mul3A_716 = arith.muli %add3A_688, %mul3A_715 : i32
      %add3A_717 = arith.addi %add3A_5, %mul3A_716 : i32
      %dma_wait3A_718 = arith.constant 0 : i32
      %dma_wait3A_719 = tpu.memref_slice %arg2[%add3A_717, %dma_wait3A_718] : memref<16384x4096xf32, #tpu.memory_space<hbm>> -> memref<8x4096xf32, #tpu.memory_space<hbm>>
      %dma_wait3A_720 = arith.constant 0 : i32
      %dma_wait3A_721 = tpu.memref_slice %arg2[%add3A_717, %dma_wait3A_720] : memref<16384x4096xf32, #tpu.memory_space<hbm>> -> memref<8x4096xf32, #tpu.memory_space<hbm>>
      tpu.wait_dma2 semaphore(%arg24 : memref<!tpu.dma_semaphore, #tpu.memory_space<semaphore_mem>>) src(%dma_wait3A_721 : memref<8x4096xf32, #tpu.memory_space<hbm>>) dst(%arg20 : memref<8x4096xf32, #tpu.memory_space<vmem>>)
      %dma_start3A_722 = arith.constant 0 : i32
      %dma_start3A_723 = tpu.memref_slice %arg17[%add3A_688, %dma_start3A_722] : memref<64x8xi32, #tpu.memory_space<vmem>> -> memref<1x8xi32, #tpu.memory_space<vmem>>
      %dma_start3A_724 = tpu.memref_squeeze %dma_start3A_723 : memref<1x8xi32, #tpu.memory_space<vmem>> -> memref<8xi32, #tpu.memory_space<vmem>>
      %dma_start3A_725 = arith.constant 0 : i32
      %dma_start3A_726 = arith.constant 0 : i32
      %dma_start3A_727 = tpu.memref_slice %arg4[%dma_start3A_725, %dma_start3A_726] : memref<16384x4096xf32, #tpu.memory_space<hbm>> -> memref<16384x4096xf32, #tpu.memory_space<hbm>>
      tpu.enqueue_indirect_dma source(%arg20 : memref<8x4096xf32, #tpu.memory_space<vmem>>) target(%dma_start3A_727 : memref<16384x4096xf32, #tpu.memory_space<hbm>>) offsets(%dma_start3A_724 : memref<8xi32, #tpu.memory_space<vmem>>) semaphore(%arg27 : memref<!tpu.dma_semaphore, #tpu.memory_space<semaphore_mem>>)
      %dma_wait3A_728 = arith.constant 0 : i32
      %dma_wait3A_729 = tpu.memref_slice %arg17[%add3A_680, %dma_wait3A_728] : memref<64x8xi32, #tpu.memory_space<vmem>> -> memref<1x8xi32, #tpu.memory_space<vmem>>
      %dma_wait3A_730 = tpu.memref_squeeze %dma_wait3A_729 : memref<1x8xi32, #tpu.memory_space<vmem>> -> memref<8xi32, #tpu.memory_space<vmem>>
      %dma_wait3A_731 = arith.constant 0 : i32
      %dma_wait3A_732 = arith.constant 0 : i32
      %dma_wait3A_733 = tpu.memref_slice %arg4[%dma_wait3A_731, %dma_wait3A_732] : memref<16384x4096xf32, #tpu.memory_space<hbm>> -> memref<16384x4096xf32, #tpu.memory_space<hbm>>
      tpu.wait_indirect_dma semaphore(%arg25 : memref<!tpu.dma_semaphore, #tpu.memory_space<semaphore_mem>>) src(%arg18 : memref<8x4096xf32, #tpu.memory_space<vmem>>) dst(%dma_wait3A_733 : memref<16384x4096xf32, #tpu.memory_space<hbm>>)
      %add3A_734 = arith.constant 3 : i32
      %add3A_735 = arith.addi %add3A_680, %add3A_734 : i32
      %lt3A = arith.constant 64 : i32
      %lt3A_736 = arith.cmpi slt, %add3A_735, %lt3A : i32
      %convert_element_type3A_737 = arith.extui %lt3A_736 : i1 to i32
      %cond3A_738 = arith.constant 0 : i32
      %cond3A_739 = arith.cmpi ne, %convert_element_type3A_737, %cond3A_738 : i32
      scf.if %cond3A_739 {
        %add3A_766 = arith.constant 3 : i32
        %add3A_767 = arith.addi %add3A_680, %add3A_766 : i32
        %mul3A_768 = arith.constant 8 : i32
        %mul3A_769 = arith.muli %add3A_767, %mul3A_768 : i32
        %add3A_770 = arith.addi %add3A_5, %mul3A_769 : i32
        %dma_start3A_771 = arith.constant 0 : i32
        %dma_start3A_772 = tpu.memref_slice %arg2[%add3A_770, %dma_start3A_771] : memref<16384x4096xf32, #tpu.memory_space<hbm>> -> memref<8x4096xf32, #tpu.memory_space<hbm>>
        %dma_start3A_773 = arith.constant 0 : i32
        %dma_start3A_774 = tpu.memref_slice %arg2[%add3A_770, %dma_start3A_773] : memref<16384x4096xf32, #tpu.memory_space<hbm>> -> memref<8x4096xf32, #tpu.memory_space<hbm>>
        tpu.enqueue_dma source(%dma_start3A_774 : memref<8x4096xf32, #tpu.memory_space<hbm>>) target(%arg18 : memref<8x4096xf32, #tpu.memory_space<vmem>>) target_semaphore(%arg22 : memref<!tpu.dma_semaphore, #tpu.memory_space<semaphore_mem>>)
      } else {
      }
      %dma_wait3A_740 = arith.constant 0 : i32
      %dma_wait3A_741 = tpu.memref_slice %arg17[%add3A_684, %dma_wait3A_740] : memref<64x8xi32, #tpu.memory_space<vmem>> -> memref<1x8xi32, #tpu.memory_space<vmem>>
      %dma_wait3A_742 = tpu.memref_squeeze %dma_wait3A_741 : memref<1x8xi32, #tpu.memory_space<vmem>> -> memref<8xi32, #tpu.memory_space<vmem>>
      %dma_wait3A_743 = arith.constant 0 : i32
      %dma_wait3A_744 = arith.constant 0 : i32
      %dma_wait3A_745 = tpu.memref_slice %arg4[%dma_wait3A_743, %dma_wait3A_744] : memref<16384x4096xf32, #tpu.memory_space<hbm>> -> memref<16384x4096xf32, #tpu.memory_space<hbm>>
      tpu.wait_indirect_dma semaphore(%arg26 : memref<!tpu.dma_semaphore, #tpu.memory_space<semaphore_mem>>) src(%arg19 : memref<8x4096xf32, #tpu.memory_space<vmem>>) dst(%dma_wait3A_745 : memref<16384x4096xf32, #tpu.memory_space<hbm>>)
      %add3A_746 = arith.constant 3 : i32
      %add3A_747 = arith.addi %add3A_684, %add3A_746 : i32
      %lt3A_748 = arith.constant 64 : i32
      %lt3A_749 = arith.cmpi slt, %add3A_747, %lt3A_748 : i32
      %convert_element_type3A_750 = arith.extui %lt3A_749 : i1 to i32
      %cond3A_751 = arith.constant 0 : i32
      %cond3A_752 = arith.cmpi ne, %convert_element_type3A_750, %cond3A_751 : i32
      scf.if %cond3A_752 {
        %add3A_766 = arith.constant 3 : i32
        %add3A_767 = arith.addi %add3A_684, %add3A_766 : i32
        %mul3A_768 = arith.constant 8 : i32
        %mul3A_769 = arith.muli %add3A_767, %mul3A_768 : i32
        %add3A_770 = arith.addi %add3A_5, %mul3A_769 : i32
        %dma_start3A_771 = arith.constant 0 : i32
        %dma_start3A_772 = tpu.memref_slice %arg2[%add3A_770, %dma_start3A_771] : memref<16384x4096xf32, #tpu.memory_space<hbm>> -> memref<8x4096xf32, #tpu.memory_space<hbm>>
        %dma_start3A_773 = arith.constant 0 : i32
        %dma_start3A_774 = tpu.memref_slice %arg2[%add3A_770, %dma_start3A_773] : memref<16384x4096xf32, #tpu.memory_space<hbm>> -> memref<8x4096xf32, #tpu.memory_space<hbm>>
        tpu.enqueue_dma source(%dma_start3A_774 : memref<8x4096xf32, #tpu.memory_space<hbm>>) target(%arg19 : memref<8x4096xf32, #tpu.memory_space<vmem>>) target_semaphore(%arg23 : memref<!tpu.dma_semaphore, #tpu.memory_space<semaphore_mem>>)
      } else {
      }
      %dma_wait3A_753 = arith.constant 0 : i32
      %dma_wait3A_754 = tpu.memref_slice %arg17[%add3A_688, %dma_wait3A_753] : memref<64x8xi32, #tpu.memory_space<vmem>> -> memref<1x8xi32, #tpu.memory_space<vmem>>
      %dma_wait3A_755 = tpu.memref_squeeze %dma_wait3A_754 : memref<1x8xi32, #tpu.memory_space<vmem>> -> memref<8xi32, #tpu.memory_space<vmem>>
      %dma_wait3A_756 = arith.constant 0 : i32
      %dma_wait3A_757 = arith.constant 0 : i32
      %dma_wait3A_758 = tpu.memref_slice %arg4[%dma_wait3A_756, %dma_wait3A_757] : memref<16384x4096xf32, #tpu.memory_space<hbm>> -> memref<16384x4096xf32, #tpu.memory_space<hbm>>
      tpu.wait_indirect_dma semaphore(%arg27 : memref<!tpu.dma_semaphore, #tpu.memory_space<semaphore_mem>>) src(%arg20 : memref<8x4096xf32, #tpu.memory_space<vmem>>) dst(%dma_wait3A_758 : memref<16384x4096xf32, #tpu.memory_space<hbm>>)
      %add3A_759 = arith.constant 3 : i32
      %add3A_760 = arith.addi %add3A_688, %add3A_759 : i32
      %lt3A_761 = arith.constant 64 : i32
      %lt3A_762 = arith.cmpi slt, %add3A_760, %lt3A_761 : i32
      %convert_element_type3A_763 = arith.extui %lt3A_762 : i1 to i32
      %cond3A_764 = arith.constant 0 : i32
      %cond3A_765 = arith.cmpi ne, %convert_element_type3A_763, %cond3A_764 : i32
      scf.if %cond3A_765 {
        %add3A_766 = arith.constant 3 : i32
        %add3A_767 = arith.addi %add3A_688, %add3A_766 : i32
        %mul3A_768 = arith.constant 8 : i32
        %mul3A_769 = arith.muli %add3A_767, %mul3A_768 : i32
        %add3A_770 = arith.addi %add3A_5, %mul3A_769 : i32
        %dma_start3A_771 = arith.constant 0 : i32
        %dma_start3A_772 = tpu.memref_slice %arg2[%add3A_770, %dma_start3A_771] : memref<16384x4096xf32, #tpu.memory_space<hbm>> -> memref<8x4096xf32, #tpu.memory_space<hbm>>
        %dma_start3A_773 = arith.constant 0 : i32
        %dma_start3A_774 = tpu.memref_slice %arg2[%add3A_770, %dma_start3A_773] : memref<16384x4096xf32, #tpu.memory_space<hbm>> -> memref<8x4096xf32, #tpu.memory_space<hbm>>
        tpu.enqueue_dma source(%dma_start3A_774 : memref<8x4096xf32, #tpu.memory_space<hbm>>) target(%arg20 : memref<8x4096xf32, #tpu.memory_space<vmem>>) target_semaphore(%arg24 : memref<!tpu.dma_semaphore, #tpu.memory_space<semaphore_mem>>)
      } else {
      }
    }
    %scan3A_656 = arith.constant 21 : i32
    %add3A_657 = arith.constant 504 : i32
    %add3A_658 = arith.addi %add3A_5, %add3A_657 : i32
    %dma_wait3A = arith.constant 0 : i32
    %dma_wait3A_659 = tpu.memref_slice %arg2[%add3A_658, %dma_wait3A] : memref<16384x4096xf32, #tpu.memory_space<hbm>> -> memref<8x4096xf32, #tpu.memory_space<hbm>>
    %dma_wait3A_660 = arith.constant 0 : i32
    %dma_wait3A_661 = tpu.memref_slice %arg2[%add3A_658, %dma_wait3A_660] : memref<16384x4096xf32, #tpu.memory_space<hbm>> -> memref<8x4096xf32, #tpu.memory_space<hbm>>
    tpu.wait_dma2 semaphore(%arg22 : memref<!tpu.dma_semaphore, #tpu.memory_space<semaphore_mem>>) src(%dma_wait3A_661 : memref<8x4096xf32, #tpu.memory_space<hbm>>) dst(%arg18 : memref<8x4096xf32, #tpu.memory_space<vmem>>)
    %dma_start3A_662 = arith.constant 63 : i32
    %dma_start3A_663 = arith.constant 0 : i32
    %dma_start3A_664 = tpu.memref_slice %arg17[%dma_start3A_662, %dma_start3A_663] : memref<64x8xi32, #tpu.memory_space<vmem>> -> memref<1x8xi32, #tpu.memory_space<vmem>>
    %dma_start3A_665 = tpu.memref_squeeze %dma_start3A_664 : memref<1x8xi32, #tpu.memory_space<vmem>> -> memref<8xi32, #tpu.memory_space<vmem>>
    %dma_start3A_666 = arith.constant 0 : i32
    %dma_start3A_667 = arith.constant 0 : i32
    %dma_start3A_668 = tpu.memref_slice %arg4[%dma_start3A_666, %dma_start3A_667] : memref<16384x4096xf32, #tpu.memory_space<hbm>> -> memref<16384x4096xf32, #tpu.memory_space<hbm>>
    tpu.enqueue_indirect_dma source(%arg18 : memref<8x4096xf32, #tpu.memory_space<vmem>>) target(%dma_start3A_668 : memref<16384x4096xf32, #tpu.memory_space<hbm>>) offsets(%dma_start3A_665 : memref<8xi32, #tpu.memory_space<vmem>>) semaphore(%arg25 : memref<!tpu.dma_semaphore, #tpu.memory_space<semaphore_mem>>)
    %dma_wait3A_669 = arith.constant 63 : i32
    %dma_wait3A_670 = arith.constant 0 : i32
    %dma_wait3A_671 = tpu.memref_slice %arg17[%dma_wait3A_669, %dma_wait3A_670] : memref<64x8xi32, #tpu.memory_space<vmem>> -> memref<1x8xi32, #tpu.memory_space<vmem>>
    %dma_wait3A_672 = tpu.memref_squeeze %dma_wait3A_671 : memref<1x8xi32, #tpu.memory_space<vmem>> -> memref<8xi32, #tpu.memory_space<vmem>>
    %dma_wait3A_673 = arith.constant 0 : i32
    %dma_wait3A_674 = arith.constant 0 : i32
    %dma_wait3A_675 = tpu.memref_slice %arg4[%dma_wait3A_673, %dma_wait3A_674] : memref<16384x4096xf32, #tpu.memory_space<hbm>> -> memref<16384x4096xf32, #tpu.memory_space<hbm>>
    tpu.wait_indirect_dma semaphore(%arg25 : memref<!tpu.dma_semaphore, #tpu.memory_space<semaphore_mem>>) src(%arg18 : memref<8x4096xf32, #tpu.memory_space<vmem>>) dst(%dma_wait3A_675 : memref<16384x4096xf32, #tpu.memory_space<hbm>>)
    return
  }
}

</mosaic_0001>

<sc_bundles>
// kernel: kernel.3.cloned.1.call-start
scs
__scs_entry_jumppad:
0x0: {  	(pc) =	sbr.rel $0x88, $3  }
0x1: {  	(tag) =	ssettag $0x0;
	lr =	simm.s32 $0x1  }
0x2: {  	[smem:$0x3F9F] =	sst lr;
	_ =	strace $0xD0000000  }
0x3: {  	_ = 	snop  }
0x4: {  	_ = 	snop  }
0x5: {  	_ = 	snop  }
0x6: {  	_ = 	snop  }
0x7: {  	_ = 	snop  }
__scs_overlays_trampoline_lowered:
0x8: {  	[smem:$0x3FAE] =	sst s0  }
0x9: {  	[smem:$0x3FAF] =	sst s1  }
0xa: {  	[smem:$0x3FB0] =	sst s2  }
0xb: {  	[smem:$0x3FB1] =	sst s3  }
0xc: {  	[smem:$0x3FB2] =	sst s4  }
0xd: {  	[smem:$0x3FB3] =	sst s5  }
0xe: {  	[smem:$0x3FB4] =	sst s6  }
0xf: {  	[smem:$0x3FB5] =	sst s7  }
0x10: {  	[smem:$0x3FB6] =	sst s8  }
0x11: {  	[smem:$0x3FB7] =	sst s9;
	s0 =	simm.s32 @!p0 $0x0  }
0x12: {  	s1 =	sld [smem:$0x3F9D];
	s0 =	simm.s32 @p0 $0x1  }
0x13: {  	[smem:$0x3FB8] =	sst s0;
	s0 =	simm.s32 @!p1 $0x0  }
0x14: {  	s2 =	sld [smem:$0x3F9C];
	s0 =	simm.s32 @p1 $0x1  }
0x15: {  	[smem:$0x3FB9] =	sst s0;
	s0 =	simm.s32 @!p2 $0x0  }
0x16: {  	s3 =	sld [smem:$0x3FDB];
	s0 =	simm.s32 @p2 $0x1  }
0x17: {  	s4 =	simm.s32 $0x1BF5;
	[smem:$0x3FBB] =	sst s0  }
0x18: {  	s0 =	sld [smem:$0x3F9E];
	_ =	swait.ge [sflag:s4], $0x0  }
0x19: {  	s7 =	sld [smem:$0x3F9F]  }
0x1a: {  	s8 =	sadd.s32 $0xFFFFE003, lr  }
0x1b: {  	s9 =	sadd.s32 $0xFFFFFEF7, lr;
	s5 =	simm.s32 $0xFFFFFFFF;
	p2 =	slt.u32 s8, $0xFFFFF086  }
0x1c: {  	p1 =	slt.u32 s9, $0xF7A;
	s5 =	simm.s32 @!p2 $0x0  }
0x1d: {  	s5 =	simm.s32 @p1 $0x1;
	p0 =	seq.s32 s7, s2  }
0x1e: {  	s7 =	smul.u32 @!p0 $0xF7A, s2;
	p2 =	seq.s32 @!p0 s5, $0x0  }
0x1f: {  	s9 =	smul.u32 $0xF7A, s1;
	s8 =	simm.s32 @!p0 $0x1BF5;
	p2 =	por !p2, p0  }
0x20: {  	[sflag:s8] =	ssyncset.s32 @!p0 $0xFFFFF086;
	s6 =	sadd.s32 @!p0 s3, s7;
	s7 =	simm.s32 @!p0 $0x108  }
0x21: {  	s3 =	sadd.s32 s3, s9;
	s6 =	sadd.s32 @!p0 $0x88, s6;
	s7 =	simm.s32 @p2 $0x1082  }
0x22: {  	[simem:s7], [sflag:s8] =	dma.local @!p0 [hbm:s6], $0xF7A  }
0x23: {  	s9 =	sor.u32 $0xD0000000, s2;
	s6 =	simm.s32 $0x108;
	_ =	swait.ge @!p0 [sflag:s8], $0x0  }
0x24: {  	s3 =	sadd.s32 $0x88, s3;
	s6 =	simm.s32 @!p1 $0x1082;
	[sflag:s4] =	ssyncset.s32 $0xFFFFF086  }
0x25: {  	[simem:s6], [sflag:s4] =	dma.local [hbm:s3], $0xF7A  }
0x26: {  	[smem:$0x3F9F] =	sst s1;
	(tag) =	ssettag s2;
	_ =	strace s9  }
0x27: {  	s1 =	sld [smem:$0x3FAF]  }
0x28: {  	s2 =	sld [smem:$0x3FB0]  }
0x29: {  	s4 =	sld [smem:$0x3FB2]  }
0x2a: {  	p0 =	seq.s32 s5, $0x0;
	s5 =	sld [smem:$0x3FB3]  }
0x2b: {  	s6 =	sld [smem:$0x3FB4]  }
0x2c: {  	s7 =	sld [smem:$0x3FB5]  }
0x2d: {  	s3 =	simm.s32 $0x108;
	s8 =	sld [smem:$0x3FB6]  }
0x2e: {  	s3 =	simm.s32 @!p0 $0x1082;
	s9 =	sld [smem:$0x3FB7]  }
0x2f: {  	lr =	sadd.s32 s0, s3;
	s0 =	sld [smem:$0x3FAE]  }
0x30: {  	s3 =	sld [smem:$0x3FB1]  }
0x31: {  	[smem:$0x3FBA] =	sst s10  }
0x32: {  	s10 =	sld [smem:$0x3FB8];
	_ =	sdelay $0x3  }
0x33: {  	p0 =	seq.s32 s10, $0x1;
	s10 =	sld [smem:$0x3FBA];
	_ =	sdelay $0x3  }
0x34: {  	[smem:$0x3FBA] =	sst s10  }
0x35: {  	s10 =	sld [smem:$0x3FB9];
	_ =	sdelay $0x3  }
0x36: {  	p1 =	seq.s32 s10, $0x1;
	s10 =	sld [smem:$0x3FBA];
	_ =	sdelay $0x3  }
0x37: {  	[smem:$0x3FBA] =	sst s10  }
0x38: {  	s10 =	sld [smem:$0x3FBB]  }
0x39: {  	_ = 	snop;
	(pc) =	sbr.ind lr, $3  }
0x3a: {  	_ = 	snop  }
0x3b: {  	_ = 	snop  }
0x3c: {  	p2 =	seq.s32 s10, $0x1;
	s10 =	sld [smem:$0x3FBA]  }
0x3d: {  	_ =	shalt  }
0x3e: {  	_ =	shalt  }
0x3f: {  	_ =	shalt  }
0x40: {  	_ =	shalt  }
0x41: {  	_ =	shalt  }
0x42: {  	_ =	shalt  }
0x43: {  	_ =	shalt  }
0x44: {  	_ =	shalt  }
0x45: {  	_ =	shalt  }
0x46: {  	_ =	shalt  }
0x47: {  	_ =	shalt  }
0x48: {  	_ =	shalt  }
0x49: {  	_ =	shalt  }
0x4a: {  	_ =	shalt  }
0x4b: {  	_ =	shalt  }
0x4c: {  	_ =	shalt  }
0x4d: {  	_ =	shalt  }
0x4e: {  	_ =	shalt  }
0x4f: {  	_ =	shalt  }
0x50: {  	_ =	shalt  }
0x51: {  	_ =	shalt  }
0x52: {  	_ =	shalt  }
0x53: {  	_ =	shalt  }
0x54: {  	_ =	shalt  }
0x55: {  	_ =	shalt  }
0x56: {  	_ =	shalt  }
0x57: {  	_ =	shalt  }
0x58: {  	_ =	shalt  }
0x59: {  	_ =	shalt  }
0x5a: {  	_ =	shalt  }
0x5b: {  	_ =	shalt  }
0x5c: {  	_ =	shalt  }
0x5d: {  	_ =	shalt  }
0x5e: {  	_ =	shalt  }
0x5f: {  	_ =	shalt  }
0x60: {  	_ =	shalt  }
0x61: {  	_ =	shalt  }
0x62: {  	_ =	shalt  }
0x63: {  	_ =	shalt  }
0x64: {  	_ =	shalt  }
0x65: {  	_ =	shalt  }
0x66: {  	_ =	shalt  }
0x67: {  	_ =	shalt  }
0x68: {  	_ =	shalt  }
0x69: {  	_ =	shalt  }
0x6a: {  	_ =	shalt  }
0x6b: {  	_ =	shalt  }
0x6c: {  	_ =	shalt  }
0x6d: {  	_ =	shalt  }
0x6e: {  	_ =	shalt  }
0x6f: {  	_ =	shalt  }
0x70: {  	_ =	shalt  }
0x71: {  	_ =	shalt  }
0x72: {  	_ =	shalt  }
0x73: {  	_ =	shalt  }
0x74: {  	_ =	shalt  }
0x75: {  	_ =	shalt  }
0x76: {  	_ =	shalt  }
0x77: {  	_ =	shalt  }
0x78: {  	_ =	shalt  }
0x79: {  	_ =	shalt  }
0x7a: {  	_ =	shalt  }
0x7b: {  	_ =	shalt  }
0x7c: {  	_ =	shalt  }
0x7d: {  	_ =	shalt  }
0x7e: {  	_ =	shalt  }
0x7f: {  	_ =	shalt  }
0x80: {  	_ =	shalt  }
0x81: {  	_ =	shalt  }
0x82: {  	_ =	shalt  }
0x83: {  	_ =	shalt  }
0x84: {  	_ =	shalt  }
0x85: {  	_ =	shalt  }
0x86: {  	_ =	shalt  }
0x87: {  	_ =	shalt  }
.Lfunc_end0:
.L_simem_size_0:
called_computation_lowered:
.L_overlay_start_0:
0x88: {  	s2 =	sld [smem:$0x3FD9]  }
0x89: {  	s3 =	sld [smem:$0x3FFE];
	_ =	sdelay $0x1  }
0x8a: {  	s1 =	srdreg.scid  }
0x8b: {  	s0 =	sand.u32 $0x1, s1  }
0x8c: {  	s15 =	sshll.u32 s0, $0xA;
	s2 =	sadd.s32 s3, s2  }
0x8d: {  	s2 =	sadd.s32 s2, s15  }
0x8e: {  	[smem:$0x3FC6] =	sst s2  }
0x8f: {  	_ = 	snop  }
0x90: {  	s2 =	sld [smem:$0x3FD0];
	_ =	sdelay $0x1  }
0x91: {  	s16 =	sld [smem:$0x3FC9]  }
0x92: {  	s5 =	simm.s32 $0xA;
	s6 =	simm.s32 $0x10;
	s4 =	sld [smem:$0x3FC8]  }
0x93: {  	[smem:s6], [sflag:s5] =	dma.local [hbm:s2], $0x1  }
0x94: {  	_ =	swait.eq [sflag:s5], $0x1  }
0x95: {  	s17 =	sld [smem:$0x10];
	[sflag:s5] =	ssyncset.done $0x0  }
0x96: {  	s18 =	sld [smem:$0x11];
	[sflag:s5] =	ssyncadd.s32 $0xFFFFFFFF  }
0x97: {  	s19 =	sld [smem:$0x12];
	(tm) =	ssettm $0x1  }
0x98: {  	s7 =	sld [smem:$0x3FFB];
	_ =	sdelay $0x3  }
0x99: {  	_ =	strace s7  }
0x9a: {  	s7 =	sld [smem:$0x3FFC];
	_ =	sdelay $0x3  }
0x9b: {  	_ =	strace s7  }
0x9c: {  	s7 =	sld [smem:$0x3FFD];
	_ =	sdelay $0x3  }
0x9d: {  	_ =	strace s7  }
0x9e: {  	_ =	strace $0x8FFFFFFF  }
0x9f: {  	s20 =	sld [smem:$0x3FDB];
	_ =	sdelay $0x1  }
0xa0: {  	s8 =	simm.s32 $_scs_section_size  }
0xa1: {  	s9 =	simm.s32 $_size__tile_overlayer_lowered;
	s10 =	simm.s32 $_tile_overlayer_lowered  }
0xa2: {  	s23 =	simm.s32 $0x1BFF;
	s22 =	sshll.u32 s10, $0x1;
	s7 =	sadd.s32 s8, s20  }
0xa3: {  	s11 =	simm.s32 $0x0;
	s21 =	sshll.u32 s9, $0x1;
	s9 =	sadd.s32 s22, s7  }
0xa4: {  	[timem:s11], [sflag:s23] =	dma.local [hbm:s9], s21  }
0xa5: {  	_ =	swait.ge [sflag:s23], s21  }
0xa6: {  	s8 =	ssub.s32 $0x0, s21;
	[sflag:s23] =	ssyncset.done $0x0  }
0xa7: {  	[sflag:s23] =	ssyncadd.s32 s8;
	_ =	sdelay $0x1  }
0xa8: {  	s24 =	simm.s32 $0x1B8B  }
0xa9: {  	_ =	swait.ge [sflag:s24], $0x1  }
0xaa: {  	[sflag:s24] =	ssyncset.done $0x0  }
0xab: {  	s25 =	simm.s32 $0x1B8E;
	[sflag:s24] =	ssyncadd.s32 $0xFFFFFFFF  }
0xac: {  	s26 =	simm.s32 $execute0_lowered;
	[smem:$0x3FD2] =	sst s25  }
0xad: {  	s8 =	sshll.u32 s26, $0x1;
	_ =	strace $0x80000046;
	[dreg:$0x1] =	wrdreg $0xFFFFFFFF  }
0xae: {  	s28 =	simm.s32 $_size_execute0_lowered;
	s7 =	sadd.s32 s7, s8;
	[dreg:$0x0] =	wrdreg $0x0  }
0xaf: {  	s8 =	sshll.u32 s28, $0x1;
	[dreg:$0x2] =	wrdreg s7  }
0xb0: {  	[dreg:$0x3] =	wrdreg s8  }
0xb1: {  	[dreg:$0x4] =	wrdreg $0xC0  }
0xb2: {  	_ =	task [dreg:s11], $0x5FFFF  }
0xb3: {  	[dreg:$0x1] =	wrdreg $0xFFFFFFFF  }
0xb4: {  	[dreg:$0x0] =	wrdreg $0x60  }
0xb5: {  	[dreg:$0x2] =	wrdreg s16  }
0xb6: {  	[dreg:$0x3] =	wrdreg s4  }
0xb7: {  	[dreg:$0x4] =	wrdreg s17  }
0xb8: {  	[dreg:$0x5] =	wrdreg s18  }
0xb9: {  	[dreg:$0x6] =	wrdreg s19  }
0xba: {  	[dreg:$0x7] =	wrdreg $0x1BD800  }
0xbb: {  	[dreg:$0x8] =	wrdreg $0x9  }
0xbc: {  	_ =	task.clear_ibuf [dreg:s11], $0x9FFFF;
	_ =	strace $0x90000046  }
0xbd: {  	s29 =	simm.s32 $0x9;
	_ =	strace $0x80000048  }
0xbe: {  	_ =	swait.ge [sflag:s29], $0x1  }
0xbf: {  	[sflag:s29] =	ssyncadd.s32 $0xFFFFFFFF  }
0xc0: {  	_ =	strace $0x90000048  }
0xc1: {  	_ =	sfence  }
0xc2: {  	s30 =	sld [smem:$0x0];
	_ =	sdelay $0x2  }
0xc3: {  	s31 =	sshll.u32 s1, $0xD;
	s1 =	sshrl.u32 s1, $0x2  }
0xc4: {  	s3 =	sand.u32 $0x4000, s31;
	s1 =	sadd.s32 s1, s30  }
0xc5: {  	s0 =	sor.u32 s3, s0;
	s1 =	sshll.u32 s1, $0x11  }
0xc6: {  	s0 =	sor.u32 s1, s0  }
0xc7: {  	s0 =	sadd.s32 $0x8F2B, s0  }
0xc8: {  	[sflag:s0] =	ssyncadd.remote.s32 $0x1  }
0xc9: {  	_ =	sfence.sel $0xFFFF  }
0xca: {  	[dreg:$0x0] =	wrdreg $0xFFFFFFFF;
	(pc) =	sbr.abs _section_cstart, $3  }
0xcb: {  	[dreg:$0x1] =	wrdreg $0xFFFFFFFF  }
0xcc: {  	_ =	task.clear_ibuf [dreg:s11], $0x2FFFF;
	_ =	strace $0x9FFFFFFF  }
0xcd: {  	(tm) =	ssettm $0x7FFFFFFF  }
tec
execute0_lowered:
.L_overlay_start_1:
0x0: {  	(tag) =	ssettag $0x1  }
0x1: {  	s0 =	rddreg [dreg:$0x0]  }
0x2: {  	s1 =	rddreg [dreg:$0x1]  }
0x3: {  	s10 =	rddreg [dreg:$0x2]  }
0x4: {  	s2 =	rddreg [dreg:$0x4]  }
0x5: {  	s3 =	srdreg.scid;
	s12 =	rddreg [dreg:$0x5]  }
0x6: {  	s11 =	stileid.u32;
	s5 =	simm.s32 $0x0;
	s30 =	simm.s32 $0xBD80  }
0x7: {  	s3 =	sand.u32 $0x1, s3;
	s4 =	sshll.u32 s11, $0xA;
	[smem:$0x7FF] =	sst s5  }
0x8: {  	s22 =	sshll.u32 s11, $0x7;
	s23 =	sshll.u32 s11, $0x6;
	s24 =	ssub.s32 $0x0, s11  }
0x9: {  	s13 =	sadd.s32 $0x100, s10;
	s14 =	sadd.s32 $0x200, s10;
	s15 =	sadd.s32 $0x300, s10  }
0xa: {  	s16 =	sadd.s32 $0x400, s10;
	s17 =	sadd.s32 $0x500, s10;
	s18 =	sadd.s32 $0x600, s10  }
0xb: {  	s19 =	sadd.s32 $0x700, s10;
	s20 =	sadd.s32 $0x800, s10;
	p1 =	seq.s32 s11, $0xF  }
0xc: {  	s28 =	sadd.s32 $0xE00, s10;
	s29 =	sadd.s32 $0xF00, s10;
	s6 =	sshll.u32 s3, $0x9  }
0xd: {  	s7 =	ssub.s32 $0x2, s3;
	s31 =	sshll.u32 s3, $0x4;
	s4 =	sor.u32 s6, s4  }
0xe: {  	s8 =	sshrl.u32 s7, $0x1;
	p0 =	sne.s32 s31, s24;
	s9 =	sshll.u32 s4, $0x9  }
0xf: {  	s7 =	ssub.s32 s7, s8;
	s8 =	sadd.s32 s9, s0;
	s0 =	simm.s32 @!p0 $0x0  }
0x10: {  	_ =	strace $0x80000047;
	s1 =	sadd.s32 s1, s22;
	s0 =	simm.s32 @p0 $0x1  }
0x11: {  	s22 =	sadd.s32 $0xA00, s10;
	[smem:$0x7EE] =	sst s0;
	s0 =	simm.s32 @!p1 $0x0  }
0x12: {  	[dreg:$0xa] =	wrdreg s1;
	s0 =	simm.s32 @p1 $0x1;
	p1 =	sgt.u32 s11, $0xD  }
0x13: {  	s3 =	simm.s32 $0x13D80;
	[smem:$0x7EF] =	sst s0;
	s0 =	simm.s32 @!p1 $0x0  }
0x14: {  	s1 =	sadd.s32 s23, s12;
	s0 =	simm.s32 @p1 $0x1;
	p1 =	sgt.u32 s11, $0xC  }
0x15: {  	s12 =	sor.u32 $0x1980, s6;
	[smem:$0x7F0] =	sst s0;
	s0 =	simm.s32 @!p1 $0x0  }
0x16: {  	s23 =	sadd.s32 $0xB00, s10;
	s0 =	simm.s32 @p1 $0x1;
	p1 =	sgt.u32 s11, $0xB  }
0x17: {  	s24 =	sadd.s32 $0xC00, s10;
	[smem:$0x7F1] =	sst s0;
	s0 =	simm.s32 @!p1 $0x0  }
0x18: {  	[dreg:$0xb] =	wrdreg s1;
	s0 =	simm.s32 @p1 $0x1;
	p1 =	sgt.u32 s11, $0xA  }
0x19: {  	s6 =	simm.s32 $0x7;
	[smem:$0x7F2] =	sst s0;
	s0 =	simm.s32 @!p1 $0x0  }
0x1a: {  	s25 =	sshrl.u32 s4, $0x3;
	s0 =	simm.s32 @p1 $0x1;
	p1 =	sgt.u32 s11, $0x9  }
0x1b: {  	s4 =	simm.s32 $0x400;
	[smem:$0x7F3] =	sst s0;
	s0 =	simm.s32 @!p1 $0x0  }
0x1c: {  	s1 =	simm.s32 $0x0;
	p0 =	sgt.u32 s11, $0x8;
	s0 =	simm.s32 @p1 $0x1  }
0x1d: {  	s2 =	sadd.s32 s2, s25;
	[smem:$0x7F4] =	sst s0;
	s0 =	simm.s32 @!p0 $0x0  }
0x1e: {  	s26 =	smax.u32 s7, $0x1;
	s0 =	simm.s32 @p0 $0x1;
	p0 =	sgt.u32 s11, $0x7  }
0x1f: {  	s25 =	simm.s32 $0x3D80;
	[smem:$0x7F5] =	sst s0;
	s0 =	simm.s32 @!p0 $0x0  }
0x20: {  	s7 =	simm.s32 $0x800;
	s0 =	simm.s32 @p0 $0x1;
	p0 =	sgt.u32 s11, $0x6  }
0x21: {  	s21 =	sadd.s32 $0x1000, s8;
	[smem:$0x7F6] =	sst s0;
	s0 =	simm.s32 @!p0 $0x0  }
0x22: {  	[dreg:$0xc] =	wrdreg s2;
	s0 =	simm.s32 @p0 $0x1;
	p0 =	sgt.u32 s11, $0x5  }
0x23: {  	s9 =	sadd.s32 $0x2000, s8;
	[smem:$0x7F7] =	sst s0;
	s0 =	simm.s32 @!p0 $0x0  }
0x24: {  	[dreg:$0xd] =	wrdreg s26;
	s0 =	simm.s32 @p0 $0x1;
	p0 =	sgt.u32 s11, $0x4  }
0x25: {  	s26 =	sadd.s32 $0xD00, s10;
	[smem:$0x7F8] =	sst s0;
	s0 =	simm.s32 @!p0 $0x0  }
0x26: {  	[dreg:$0x7] =	wrdreg s8;
	s0 =	simm.s32 @p0 $0x1;
	p0 =	sgt.u32 s11, $0x3  }
0x27: {  	s31 =	sadd.s32 $0x3000, s8;
	[smem:$0x7F9] =	sst s0;
	s0 =	simm.s32 @!p0 $0x0  }
0x28: {  	s2 =	simm.s32 $0xBD80;
	s0 =	simm.s32 @p0 $0x1;
	p0 =	sgt.u32 s11, $0x2  }
0x29: {  	s8 =	simm.s32 $0x4;
	[smem:$0x7FA] =	sst s0;
	s0 =	simm.s32 @!p0 $0x0  }
0x2a: {  	[dreg:$0x8] =	wrdreg s21;
	s0 =	simm.s32 @p0 $0x1;
	p0 =	sgt.u32 s11, $0x1  }
.Ltmp0:
0x2b: {  	v0 =	vlaneseq.u32;
	[smem:$0x7FB] =	sst s0;
	s0 =	simm.s32 @!p0 $0x0;
	(pc) =	sbr.rel .LBB2_1-.Ltmp0, $4  }
0x2c: {  	v1 =	vimm.s32 $0x0;
	v6 =	vmul.u32 $0x10, v0;
	[dreg:$0x9] =	wrdreg s9;
	s0 =	simm.s32 @p0 $0x1;
	p0 =	seq.s32 s11, $0x0  }
0x2d: {  	vm0 =	vcmask $0x3F24;
	vm1 =	vcmask $0x1F04;
	v2 =	vmul.u32 $0x40, v0;
	s21 =	sadd.s32 $0x900, s10;
	[smem:$0x7FC] =	sst s0;
	s0 =	simm.s32 @!p0 $0x0  }
0x2e: {  	vm0 =	vmor vm1, vm0;
	vm1 =	vmmov $0xffff;
	v3 =	vor.u32 $0xF, v6;
	[dreg:$0xe] =	wrdreg s31;
	s9 =	simm.s32 $0xC00;
	s0 =	simm.s32 @p0 $0x1  }
0x2f: {  	v4 =	vor.u32 $0x10F, v6;
	v5 =	vor.u32 $0x20F, v6;
	v6 =	vor.u32 $0x30F, v6;
	s10 =	simm.s32 $0x1900;
	s11 =	simm.s32 $0x1D80;
	[smem:$0x7FD] =	sst s0  }
.LBB2_14:
0x30: {  	s0 =	simm.s32 $0x6  }
0x31: {  	_ =	swait.ge [sflag:s0], $0x8000  }
0x32: {  	[sflag:s0] =	ssyncset.done $0x0  }
0x33: {  	s6 =	simm.s32 $0x1;
	[sflag:s0] =	ssyncadd.s32 $0xFFFF8000  }
0x34: {  	_ =	swait.ge [sflag:s6], $0x8000  }
0x35: {  	[sflag:s6] =	ssyncset.done $0x0  }
0x36: {  	[sflag:s6] =	ssyncadd.s32 $0xFFFF8000  }
0x37: {  	v9 =	vld.msk [tilespmem:$0x3D00], $0xff;
	_ =	sdelay $0x4  }
0x38: {  	v10 =	vshll.u32 v9, $0x5  }
0x39: {  	v9 =	vand.u32 $0x7, v9;
	v10 =	vand.u32 $0xFFFFFF00, v10  }
0x3a: {  	v9 =	vor.u32 v9, v10  }
0x3b: {  	v7 =	vperm.xlane v9, v7;
	_ =	sdelay $0x1  }
0x3c: {  	v7 =	vadd.s32 v8, v7;
	_ =	sdelay $0x4  }
0x3d: {  	[hbm4b:s2+s5] =	stream.indirect_vreg.scatter [tilespmem:s25], [sflag:$0x4], $0x80, v7, vm1, $0xb8;
	[tilespmem:$0x1BDC0] =	vst v63  }
0x3e: {  	s31 =	simm.s32 $0x4580  }
0x3f: {  	[hbm4b:s13+s5] =	stream.indirect_vreg.scatter [tilespmem:s31], [sflag:$0x4], $0x80, v7, vm1, $0xb8;
	[tilespmem:$0x1BDC0] =	vst v63  }
0x40: {  	s1 =	simm.s32 $0x4D80  }
0x41: {  	[hbm4b:s14+s5] =	stream.indirect_vreg.scatter [tilespmem:s1], [sflag:$0x4], $0x80, v7, vm1, $0xb8;
	[tilespmem:$0x1BDC0] =	vst v63  }
0x42: {  	s2 =	simm.s32 $0x5580  }
0x43: {  	[hbm4b:s15+s5] =	stream.indirect_vreg.scatter [tilespmem:s2], [sflag:$0x4], $0x80, v7, vm1, $0xb8;
	[tilespmem:$0x1BDC0] =	vst v63  }
0x44: {  	s3 =	simm.s32 $0x5D80  }
0x45: {  	[hbm4b:s16+s5] =	stream.indirect_vreg.scatter [tilespmem:s3], [sflag:$0x4], $0x80, v7, vm1, $0xb8;
	[tilespmem:$0x1BDC0] =	vst v63  }
0x46: {  	s6 =	simm.s32 $0x6580  }
0x47: {  	[hbm4b:s17+s5] =	stream.indirect_vreg.scatter [tilespmem:s6], [sflag:$0x4], $0x80, v7, vm1, $0xb8;
	[tilespmem:$0x1BDC0] =	vst v63  }
0x48: {  	s31 =	simm.s32 $0x6D80  }
0x49: {  	[hbm4b:s18+s5] =	stream.indirect_vreg.scatter [tilespmem:s31], [sflag:$0x4], $0x80, v7, vm1, $0xb8;
	[tilespmem:$0x1BDC0] =	vst v63  }
0x4a: {  	s1 =	simm.s32 $0x7580  }
0x4b: {  	[hbm4b:s19+s5] =	stream.indirect_vreg.scatter [tilespmem:s1], [sflag:$0x4], $0x80, v7, vm1, $0xb8;
	[tilespmem:$0x1BDC0] =	vst v63  }
0x4c: {  	s2 =	simm.s32 $0x7D80  }
0x4d: {  	[hbm4b:s20+s5] =	stream.indirect_vreg.scatter [tilespmem:s2], [sflag:$0x4], $0x80, v7, vm1, $0xb8;
	[tilespmem:$0x1BDC0] =	vst v63  }
0x4e: {  	s3 =	simm.s32 $0x8580  }
0x4f: {  	[hbm4b:s21+s5] =	stream.indirect_vreg.scatter [tilespmem:s3], [sflag:$0x4], $0x80, v7, vm1, $0xb8;
	[tilespmem:$0x1BDC0] =	vst v63  }
0x50: {  	s6 =	simm.s32 $0x8D80  }
0x51: {  	[hbm4b:s22+s5] =	stream.indirect_vreg.scatter [tilespmem:s6], [sflag:$0x4], $0x80, v7, vm1, $0xb8;
	[tilespmem:$0x1BDC0] =	vst v63  }
0x52: {  	s31 =	simm.s32 $0x9580  }
0x53: {  	[hbm4b:s23+s5] =	stream.indirect_vreg.scatter [tilespmem:s31], [sflag:$0x4], $0x80, v7, vm1, $0xb8;
	[tilespmem:$0x1BDC0] =	vst v63  }
0x54: {  	s1 =	simm.s32 $0x9D80  }
0x55: {  	[hbm4b:s24+s5] =	stream.indirect_vreg.scatter [tilespmem:s1], [sflag:$0x4], $0x80, v7, vm1, $0xb8;
	[tilespmem:$0x1BDC0] =	vst v63  }
0x56: {  	s2 =	simm.s32 $0xA580  }
0x57: {  	[hbm4b:s26+s5] =	stream.indirect_vreg.scatter [tilespmem:s2], [sflag:$0x4], $0x80, v7, vm1, $0xb8;
	[tilespmem:$0x1BDC0] =	vst v63  }
0x58: {  	s3 =	simm.s32 $0xAD80  }
0x59: {  	[hbm4b:s28+s5] =	stream.indirect_vreg.scatter [tilespmem:s3], [sflag:$0x4], $0x80, v7, vm1, $0xb8;
	[tilespmem:$0x1BDC0] =	vst v63  }
0x5a: {  	s6 =	simm.s32 $0xB580  }
0x5b: {  	[hbm4b:s29+s5] =	stream.indirect_vreg.scatter [tilespmem:s6], [sflag:$0x4], $0x80, v7, vm1, $0xb8;
	[tilespmem:$0x1BDC0] =	vst v63  }
0x5c: {  	_ =	swait.ge [sflag:s8], $0x8000  }
0x5d: {  	s1 =	rddreg [dreg:$0xf]  }
0x5e: {  	s31 =	rddreg [dreg:$0xd];
	s1 =	sadd.s32 $0x1, s1  }
0x5f: {  	p4 =	sne.s32 s1, s31  }
.Ltmp1:
0x60: {  	_ = 	snop;
	(pc) =	sbr.rel @!p4 .LBB2_15-.Ltmp1, $3  }
0x61: {  	_ =	sdelay $0x1  }
0x62: {  	s2 =	simm.s32 $0xBD80;
	[sflag:s8] =	ssyncset.done $0x0  }
0x63: {  	s3 =	simm.s32 $0x13D80;
	s6 =	simm.s32 $0x7;
	[sflag:s8] =	ssyncadd.s32 $0xFFFF8000  }
.LBB2_1:
0x64: {  	s0 =	rddreg [dreg:$0x7]  }
0x65: {  	[tilespmem:s25], [sflag:$0x1] =	stream.linear.gather [hbm4b:s0+s5], $0x8000, $0x38;
	[tilespmem:$0x1BDC0] =	vst v63  }
0x66: {  	s31 =	rddreg [dreg:$0x8]  }
0x67: {  	[tilespmem:s2], [sflag:$0x2] =	stream.linear.gather [hbm4b:s31+s5], $0x8000, $0x38;
	[tilespmem:$0x1BDC0] =	vst v63  }
0x68: {  	s25 =	rddreg [dreg:$0x9]  }
0x69: {  	[tilespmem:s3], [sflag:$0x3] =	stream.linear.gather [hbm4b:s25+s5], $0x8000, $0x38;
	[tilespmem:$0x1BDC0] =	vst v63  }
0x6a: {  	s31 =	rddreg [dreg:$0xa]  }
0x6b: {  	[tilespmem:s5], [sflag:$0x7] =	stream.linear.gather [hbm4b:s31+s5], $0x400, $0x38;
	[tilespmem:$0x1BDC0] =	vst v63  }
0x6c: {  	_ =	swait.ge [sflag:s6], $0x400  }
0x6d: {  	[sflag:s6] =	ssyncset.done $0x0  }
0x6e: {  	s0 =	simm.s32 $0x40;
	s2 =	simm.s32 $0x0;
	[sflag:s6] =	ssyncadd.s32 $0xFFFFFC00  }
.LBB2_2:
0x6f: {  	p4 =	sne.s32 s0, $0xFC0;
	[tilespmem:s2+$0x400] =	vst v1;
	s2 =	smov.u32 s0;
	s0 =	sadd.s32 $0x40, s0  }
.Ltmp2:
0x70: {  	(pc) =	sbr.rel @p4 .LBB2_2-.Ltmp2, $2  }
0x71: {  	_ =	sdelay $0x2  }
0x72: {  	s2 =	sshra.s32 s2, $0x2  }
0x73: {  	s0 =	simm.s32 $0x0  }
0x74: {  	v7 =	vor.u32 s0, v2;
	_ =	sdelay $0x3  }
0x75: {  	[tilespmem:s2+$0x400] =	vst v1  }
0x76: {  	v8 =	vld.idx.msk [tilespmem:v7+s0+$0x0], $0xffff;
	_ =	sdelay $0x4  }
0x77: {  	v8 =	vshll.u32 v8, $0x4  }
0x78: {  	v8 =	vor.u32 v0, v8;
	_ =	sdelay $0x4  }
0x79: {  	v10 =	vld.idx.msk [tilespmem:v8+s4+$0x0], $0xffff  }
0x7a: {  	s31 =	simm.s32 $0x1  }
0x7b: {  	s2 =	simm.s32 $0x2;
	v9 =	vor.u32 s31, v2  }
.LBB2_4:
0x7c: {  	p4 =	sne.s32 s2, $0x3F;
	_ =	sdelay $0x1  }
0x7d: {  	[tilespmem:v7+s7+$0x0] =	vst.idx.msk $0xffff, v10;
	v10 =	vadd.s32 $0x1, v10;
	v7 =	vmov v9  }
0x7e: {  	[tilespmem:v8+s4+$0x0] =	vst.idx.msk $0xffff, v10  }
0x7f: {  	v8 =	vld.idx.msk [tilespmem:v9+s0+$0x0], $0xffff;
	_ =	sdelay $0x5  }
0x80: {  	v8 =	vshll.u32 v8, $0x4  }
0x81: {  	v8 =	vor.u32 v0, v8;
	_ =	sdelay $0x3  }
.Ltmp3:
0x82: {  	(pc) =	sbr.rel @p4 .LBB2_4-.Ltmp3, $2  }
0x83: {  	v10 =	vld.idx.msk [tilespmem:v8+s4+$0x0], $0xffff;
	_ =	sdelay $0x2  }
0x84: {  	v9 =	vor.u32 s2, v2;
	s2 =	sadd.s32 $0x1, s2  }
0x85: {  	_ =	sdelay $0x3  }
0x86: {  	[tilespmem:v7+s7+$0x0] =	vst.idx.msk $0xffff, v10;
	v7 =	vadd.s32 $0x1, v10  }
0x87: {  	[tilespmem:v8+s4+$0x0] =	vst.idx.msk $0xffff, v7  }
0x88: {  	v7 =	vld.idx.msk [tilespmem:v9+s0+$0x0], $0xffff;
	_ =	sdelay $0x4  }
0x89: {  	v7 =	vshll.u32 v7, $0x4  }
0x8a: {  	v7 =	vor.u32 v0, v7;
	_ =	sdelay $0x4  }
0x8b: {  	v8 =	vld.idx.msk [tilespmem:v7+s4+$0x0], $0xffff;
	_ =	sdelay $0x4  }
0x8c: {  	[tilespmem:v9+s7+$0x0] =	vst.idx.msk $0xffff, v8;
	v8 =	vadd.s32 $0x1, v8  }
0x8d: {  	s2 =	simm.s32 $0x0;
	[tilespmem:v7+s4+$0x0] =	vst.idx.msk $0xffff, v8  }
0x8e: {  	v8 =	vld [tilespmem:s2+$0x400];
	_ =	sdelay $0x4  }
0x8f: {  	s0 =	simm.s32 $0x10;
	(xrf0) =	vadd.scan.msk.s32 $0xffff, v8  }
0x90: {  	v7 =	vld [tilespmem:s0+$0x400]  }
0x91: {  	s3 =	simm.s32 $0x80  }
.LBB2_6:
0x92: {  	p4 =	sne.s32 s3, $0xFC0  }
.Ltmp4:
0x93: {  	_ = 	snop;
	(pc) =	sbr.rel @p4 .LBB2_6-.Ltmp4, $4  }
0x94: {  	_ = 	snop  }
0x95: {  	s25 =	sshra.s32 s3, $0x2;
	s3 =	sadd.s32 $0x40, s3;
	(xrf0) =	vadd.scan.msk.s32 $0xffff, v7;
	v9, _, _ =	vpop (xrf0)  }
0x96: {  	v10 =	vsub.s32 v9, v8;
	[tilespmem:s2+$0x1000] =	vst v9;
	v8 =	vmov v7;
	v7 =	vld [tilespmem:s25+$0x400]  }
0x97: {  	[tilespmem:s2+$0xC00] =	vst v10;
	s2 =	smov.u32 s0;
	s0 =	smov.u32 s25  }
0x98: {  	_ =	sdelay $0x2  }
0x99: {  	(xrf0) =	vadd.scan.msk.s32 $0xffff, v7;
	_ =	sdelay $0x1  }
0x9a: {  	v9, _, _ =	vpop (xrf0)  }
0x9b: {  	v8 =	vsub.s32 v9, v8;
	_ =	sdelay $0x1  }
0x9c: {  	[tilespmem:s2+$0x1000] =	vst v9  }
0x9d: {  	[tilespmem:s2+$0xC00] =	vst v8;
	v8, _, _ =	vpop (xrf0)  }
0x9e: {  	v7 =	vsub.s32 v8, v7;
	[tilespmem:s0+$0x1000] =	vst v8  }
0x9f: {  	s2 =	simm.s32 $0x1000;
	[tilespmem:s0+$0xC00] =	vst v7  }
0xa0: {  	v7 =	vld.idx.msk [tilespmem:v3+s2+$0x0], $0xffff;
	_ =	sdelay $0x4  }
0xa1: {  	[tilespmem:$0x1400] =	vst v7  }
0xa2: {  	v7 =	vld.idx.msk [tilespmem:v4+s2+$0x0], $0xffff;
	_ =	sdelay $0x4  }
0xa3: {  	[tilespmem:$0x1410] =	vst v7  }
0xa4: {  	v7 =	vld.idx.msk [tilespmem:v5+s2+$0x0], $0xffff;
	_ =	sdelay $0x4  }
0xa5: {  	[tilespmem:$0x1420] =	vst v7  }
0xa6: {  	v7 =	vld.idx.msk [tilespmem:v6+s2+$0x0], $0xffff;
	_ =	sdelay $0x4  }
0xa7: {  	s3 =	rddreg [dreg:$0xb];
	s25 =	simm.s32 $0x1400;
	[tilespmem:$0x1430] =	vst v7  }
0xa8: {  	[spmem:s3] =	stream.linear.scatter [tilespmem:s25], [sflag:$0x7], $0x40, $0x38;
	[tilespmem:$0x1BDC0] =	vst v63  }
0xa9: {  	_ =	swait.ge [sflag:s6], $0x40  }
0xaa: {  	[sflag:s6] =	ssyncset.done $0x0  }
0xab: {  	[sflag:s6] =	ssyncadd.s32 $0xFFFFFFC0  }
0xac: {  	[bflag:$0x0] =	sbarrier.arrive $0xFFFF  }
0xad: {  	s25 =	simm.s32 $0x1480;
	s3 =	rddreg [dreg:$0x5]  }
0xae: {  	[tilespmem:s25], [sflag:$0x7] =	stream.linear.gather [spmem:s3], $0x400, $0x38;
	[tilespmem:$0x1BDC0] =	vst v63  }
0xaf: {  	_ =	swait.ge [sflag:s6], $0x400  }
0xb0: {  	[sflag:s6] =	ssyncset.done $0x0  }
0xb1: {  	[sflag:s6] =	ssyncadd.s32 $0xFFFFFC00  }
0xb2: {  	v7 =	vld [tilespmem:$0x1480]  }
0xb3: {  	v8 =	vld [tilespmem:$0x14C0]  }
0xb4: {  	v9 =	vld [tilespmem:$0x1500]  }
0xb5: {  	v10 =	vld [tilespmem:$0x1540]  }
0xb6: {  	v11 =	vld [tilespmem:$0x1580]  }
0xb7: {  	v12 =	vld [tilespmem:$0x15C0]  }
0xb8: {  	v13 =	vld [tilespmem:$0x1600]  }
0xb9: {  	v14 =	vld [tilespmem:$0x1640]  }
0xba: {  	v15 =	vld [tilespmem:$0x1680]  }
0xbb: {  	v16 =	vld [tilespmem:$0x16C0]  }
0xbc: {  	v17 =	vld [tilespmem:$0x1700]  }
0xbd: {  	v18 =	vld [tilespmem:$0x1740]  }
0xbe: {  	v19 =	vld [tilespmem:$0x1780]  }
0xbf: {  	s3 =	sld [smem:$0x7FD];
	v20 =	vld [tilespmem:$0x17C0]  }
0xc0: {  	s25 =	sld [smem:$0x7FC];
	v25 =	vld [tilespmem:$0x1510]  }
0xc1: {  	s2 =	sld [smem:$0x7FB];
	v26 =	vld [tilespmem:$0x1550]  }
0xc2: {  	v27 =	vld [tilespmem:$0x1590];
	p3 =	seq.s32 s3, $0x1;
	s3 =	sld [smem:$0x7FA]  }
0xc3: {  	v21 =	vld [tilespmem:$0x1800];
	p0 =	seq.s32 s25, $0x1;
	s25 =	sld [smem:$0x7F9]  }
0xc4: {  	v22 =	vld [tilespmem:$0x1840]  }
0xc5: {  	v23 =	vld [tilespmem:$0x1490]  }
0xc6: {  	v24 =	vld [tilespmem:$0x14D0];
	p1 =	seq.s32 s2, $0x1;
	p2 =	seq.s32 s3, $0x1;
	p6 =	seq.s32 s25, $0x1;
	v28 =	vpsel p3, $0x0, v7;
	v7 =	vadd.s32 v7, v8;
	v8 =	vpsel !p0, $0x0, v8  }
0xc7: {  	v29 =	vld [tilespmem:$0x15D0];
	s2 =	sld [smem:$0x7F8];
	v41 =	vpsel !p1, $0x0, v25;
	v43 =	vpsel !p2, $0x0, v26;
	v45 =	vpsel !p6, $0x0, v27  }
0xc8: {  	v59 =	vld [tilespmem:$0x1610];
	s3 =	sld [smem:$0x7F7];
	v8 =	vadd.s32 v28, v8;
	v7 =	vadd.s32 v9, v7;
	v9 =	vpsel !p1, $0x0, v9  }
0xc9: {  	v60 =	vld [tilespmem:$0x16D0];
	s25 =	sld [smem:$0x7F6];
	v8 =	vadd.s32 v9, v8;
	v7 =	vadd.s32 v10, v7;
	v9 =	vpsel !p2, $0x0, v10  }
0xca: {  	v61 =	vld [tilespmem:$0x1710];
	p4 =	seq.s32 s2, $0x1;
	s2 =	sld [smem:$0x7F5];
	v8 =	vadd.s32 v9, v8;
	v7 =	vadd.s32 v11, v7;
	v9 =	vpsel !p6, $0x0, v11  }
0xcb: {  	v62 =	vld [tilespmem:$0x1750];
	p5 =	seq.s32 s3, $0x1;
	s3 =	sld [smem:$0x7F4];
	v8 =	vadd.s32 v9, v8;
	v7 =	vadd.s32 v12, v7;
	v9 =	vpsel !p4, $0x0, v12  }
0xcc: {  	v63 =	vld [tilespmem:$0x1790];
	v8 =	vadd.s32 v9, v8;
	v7 =	vadd.s32 v13, v7;
	v9 =	vpsel !p5, $0x0, v13;
	p5 =	seq.s32 s25, $0x1;
	s25 =	sld [smem:$0x7F3]  }
0xcd: {  	v36 =	vld [tilespmem:$0x17D0];
	p0 =	seq.s32 s2, $0x1;
	s2 =	sld [smem:$0x7F2];
	v8 =	vadd.s32 v9, v8;
	v7 =	vadd.s32 v14, v7;
	v9 =	vpsel !p5, $0x0, v14  }
0xce: {  	v37 =	vld [tilespmem:$0x1850];
	v8 =	vadd.s32 v9, v8;
	v7 =	vadd.s32 v15, v7;
	v9 =	vpsel !p0, $0x0, v15;
	p0 =	seq.s32 s3, $0x1;
	s3 =	sld [smem:$0x7F1]  }
0xcf: {  	v38 =	vld [tilespmem:$0x14A0];
	v8 =	vadd.s32 v9, v8;
	v7 =	vadd.s32 v16, v7;
	v9 =	vpsel !p0, $0x0, v16;
	p0 =	seq.s32 s25, $0x1;
	s25 =	sld [smem:$0x7F0]  }
0xd0: {  	v39 =	vld [tilespmem:$0x14E0];
	v8 =	vadd.s32 v9, v8;
	v7 =	vadd.s32 v17, v7;
	v9 =	vpsel !p0, $0x0, v17;
	p0 =	seq.s32 s2, $0x1;
	s2 =	sld [smem:$0x7EF]  }
0xd1: {  	v40 =	vld [tilespmem:$0x1520];
	v8 =	vadd.s32 v9, v8;
	v7 =	vadd.s32 v18, v7;
	v9 =	vpsel !p0, $0x0, v18;
	p0 =	seq.s32 s3, $0x1  }
0xd2: {  	v31 =	vld [tilespmem:$0x1560];
	s3 =	sld [smem:$0x7FC];
	v8 =	vadd.s32 v9, v8;
	v7 =	vadd.s32 v19, v7;
	v9 =	vpsel !p0, $0x0, v19;
	p0 =	seq.s32 s25, $0x1  }
0xd3: {  	v42 =	vld [tilespmem:$0x15A0];
	v8 =	vadd.s32 v9, v8;
	v7 =	vadd.s32 v20, v7;
	v9 =	vpsel !p0, $0x0, v20;
	p0 =	seq.s32 s2, $0x1  }
0xd4: {  	v10 =	vld [tilespmem:$0x1650];
	v8 =	vadd.s32 v9, v8;
	v9 =	vadd.s32 v21, v7;
	v7 =	vpsel !p0, $0x0, v21  }
0xd5: {  	v44 =	vld [tilespmem:$0x15E0];
	v47 =	vpsel !p4, $0x0, v29;
	v7 =	vadd.s32 v7, v8;
	v8 =	vpsel p3, $0x0, v23;
	p3 =	seq.s32 s3, $0x1  }
0xd6: {  	v46 =	vld [tilespmem:$0x1620];
	v52 =	vadd.s32 v38, v39;
	v23 =	vadd.s32 v23, v24;
	v30 =	vpsel !p3, $0x0, v24  }
0xd7: {  	v48 =	vld [tilespmem:$0x1660];
	v28 =	vadd.s32 v40, v52;
	s25 =	sld [smem:$0x7F7];
	v23 =	vadd.s32 v25, v23;
	v8 =	vadd.s32 v8, v30  }
0xd8: {  	v55 =	vadd.s32 v31, v28;
	v11 =	vld [tilespmem:$0x1690];
	v23 =	vadd.s32 v26, v23;
	v8 =	vadd.s32 v41, v8  }
0xd9: {  	v50 =	vld [tilespmem:$0x16A0];
	v54 =	vpsel !p5, $0x0, v10;
	s2 =	sld [smem:$0x7F5];
	v23 =	vadd.s32 v27, v23;
	v8 =	vadd.s32 v43, v8  }
0xda: {  	v53 =	vld [tilespmem:$0x16E0];
	p0 =	por p2, p2;
	v9 =	vadd.s32 v22, v9;
	p2 =	seq.s32 s25, $0x1;
	s3 =	sld [smem:$0x7F4];
	v49 =	vadd.s32 v29, v23;
	v8 =	vadd.s32 v45, v8  }
0xdb: {  	v32 =	vld [tilespmem:$0x1720];
	v51 =	vpsel !p2, $0x0, v59;
	v22 =	vadd.s32 v59, v49;
	v8 =	vadd.s32 v47, v8  }
0xdc: {  	v56 =	vld [tilespmem:$0x1760];
	p5 =	seq.s32 s2, $0x1;
	s2 =	sld [smem:$0x7F2];
	v10 =	vadd.s32 v10, v22;
	v22 =	vadd.s32 v42, v55;
	v8 =	vadd.s32 v51, v8  }
0xdd: {  	v57 =	vld [tilespmem:$0x17A0];
	s25 =	sld [smem:$0x7F3];
	v10 =	vadd.s32 v11, v10;
	v11 =	vpsel !p5, $0x0, v11;
	p5 =	seq.s32 s3, $0x1;
	v8 =	vadd.s32 v54, v8  }
0xde: {  	v33 =	vld [tilespmem:$0x17E0];
	v22 =	vadd.s32 v44, v22;
	v8 =	vadd.s32 v11, v8;
	v11 =	vpsel !p5, $0x0, v60  }
0xdf: {  	v34 =	vld [tilespmem:$0x14B0];
	p6 =	seq.s32 s2, $0x1;
	s2 =	sld [smem:$0x7FD];
	v8 =	vadd.s32 v11, v8;
	v11 =	vadd.s32 v46, v22  }
0xe0: {  	v58 =	vld [tilespmem:$0x1860];
	p1 =	seq.s32 s25, $0x1;
	v11 =	vadd.s32 v48, v11  }
0xe1: {  	v17 =	vld [tilespmem:$0x1810];
	v13 =	vpsel !p1, $0x0, v61;
	v10 =	vadd.s32 v60, v10;
	v11 =	vadd.s32 v50, v11  }
0xe2: {  	v12 =	vld [tilespmem:$0x1820];
	v59 =	vpsel !p6, $0x0, v62;
	s3 =	sld [smem:$0x7F1];
	p2 =	seq.s32 s2, $0x1;
	v10 =	vadd.s32 v61, v10;
	v11 =	vadd.s32 v53, v11  }
0xe3: {  	v35 =	vld [tilespmem:$0x15B0];
	[tilespmem:$0x1880] =	vst v9;
	s25 =	sld [smem:$0x7F0];
	v9 =	vpsel p2, $0x0, v38;
	v10 =	vadd.s32 v62, v10;
	v11 =	vadd.s32 v32, v11  }
0xe4: {  	v38 =	vld [tilespmem:$0x1630];
	v49 =	vpsel p2, $0x0, v34;
	v10 =	vadd.s32 v63, v10;
	v11 =	vadd.s32 v56, v11  }
0xe5: {  	v60 =	vld [tilespmem:$0x14F0];
	p6 =	seq.s32 s3, $0x1;
	s3 =	sld [smem:$0x7FB];
	v8 =	vadd.s32 v13, v8;
	v10 =	vadd.s32 v36, v10;
	v11 =	vadd.s32 v57, v11  }
0xe6: {  	v62 =	vld [tilespmem:$0x1530];
	v61 =	vpsel !p6, $0x0, v63;
	p6 =	seq.s32 s25, $0x1;
	s25 =	sld [smem:$0x7EF];
	v10 =	vadd.s32 v17, v10;
	v11 =	vadd.s32 v33, v11  }
0xe7: {  	s2 =	sld [smem:$0x7F9];
	v63 =	vld [tilespmem:$0x1570];
	v8 =	vadd.s32 v59, v8;
	v10 =	vadd.s32 v37, v10;
	v11 =	vadd.s32 v12, v11  }
0xe8: {  	v16 =	vpsel !p6, $0x0, v36;
	p6 =	por p3, p3;
	v37 =	vpsel !p3, $0x0, v39;
	p3 =	seq.s32 s3, $0x1;
	v39 =	vld [tilespmem:$0x1880];
	[tilespmem:$0x1890] =	vst v10;
	v11 =	vadd.s32 v58, v11  }
0xe9: {  	v8 =	vadd.s32 v61, v8;
	s3 =	sld [smem:$0x7F7];
	v9 =	vadd.s32 v9, v37;
	v10 =	vpsel !p3, $0x0, v40;
	p3 =	seq.s32 s25, $0x1;
	[tilespmem:$0x18A0] =	vst v11;
	v11 =	vld [tilespmem:$0x1890]  }
0xea: {  	v36 =	vld [tilespmem:$0x15F0];
	s25 =	sld [smem:$0x7F6];
	v17 =	vpsel !p3, $0x0, v17;
	v9 =	vadd.s32 v10, v9;
	p3 =	por p0, p0;
	v10 =	vpsel !p0, $0x0, v31;
	p0 =	seq.s32 s2, $0x1  }
0xeb: {  	v40 =	vadd.s32 v34, v60;
	s2 =	sld [smem:$0x7F5];
	v9 =	vadd.s32 v10, v9;
	v10 =	vpsel !p0, $0x0, v42;
	v41 =	vld [tilespmem:$0x18A0]  }
0xec: {  	v20 =	vadd.s32 v62, v40;
	v42 =	vld [tilespmem:$0x1670];
	p0 =	seq.s32 s3, $0x1;
	v9 =	vadd.s32 v10, v9;
	v10 =	vpsel !p4, $0x0, v44  }
0xed: {  	v43 =	vld [tilespmem:$0x16B0];
	v20 =	vadd.s32 v63, v20;
	p4 =	seq.s32 s25, $0x1;
	v9 =	vadd.s32 v10, v9;
	v10 =	vpsel !p0, $0x0, v46;
	(xrf0) =	vadd.scan.msk.s32 $0xffff, v39  }
0xee: {  	v20 =	vadd.s32 v35, v20;
	v44 =	vld [tilespmem:$0x16F0];
	p0 =	seq.s32 s2, $0x1;
	v9 =	vadd.s32 v10, v9;
	v10 =	vpsel !p4, $0x0, v48;
	(xrf0) =	vadd.scan.msk.s32 $0xffff, v11  }
0xef: {  	v45 =	vld [tilespmem:$0x1730];
	v20 =	vadd.s32 v36, v20;
	v9 =	vadd.s32 v10, v9;
	v10 =	vpsel !p0, $0x0, v50  }
0xf0: {  	s3 =	sld [smem:$0x7F2];
	v46 =	vld [tilespmem:$0x1770];
	v20 =	vadd.s32 v38, v20;
	v9 =	vadd.s32 v10, v9;
	v10 =	vpsel !p5, $0x0, v53;
	(xrf0) =	vadd.scan.msk.s32 $0xffff, v41  }
0xf1: {  	v47 =	vld [tilespmem:$0x17B0];
	s25 =	sld [smem:$0x7FB];
	v20 =	vadd.s32 v42, v20;
	v9 =	vadd.s32 v10, v9;
	v10 =	vpsel !p1, $0x0, v32  }
0xf2: {  	v13 =	vpsel !p6, $0x0, v60;
	s2 =	sld [smem:$0x7F1];
	v48 =	vld [tilespmem:$0x17F0];
	v9 =	vadd.s32 v10, v9;
	v10 =	vadd.s32 v43, v20  }
0xf3: {  	v8 =	vadd.s32 v16, v8;
	v13 =	vadd.s32 v49, v13;
	v50 =	vld [tilespmem:$0x1830];
	p0 =	seq.s32 s3, $0x1;
	s3 =	sld [smem:$0x7F9];
	v10 =	vadd.s32 v44, v10;
	v51, _, _ =	vpop (xrf0)  }
0xf4: {  	v52 =	vld [tilespmem:$0x1870];
	v8 =	vadd.s32 v17, v8;
	p4 =	por p5, p5;
	p5 =	seq.s32 s25, $0x1;
	s25 =	sld [smem:$0x7F8];
	v10 =	vadd.s32 v45, v10;
	(v2sf) =	vpush v51, $0xF;
	v53, _, _ =	vpop (xrf0)  }
0xf5: {  	v15 =	vpsel !p5, $0x0, v62;
	p5 =	seq.s32 s2, $0x1;
	s2 =	sld [smem:$0x7F0];
	v10 =	vadd.s32 v46, v10;
	(v2sf) =	vpush v53, $0xF  }
0xf6: {  	v14 =	vpsel !p3, $0x0, v63;
	v24 =	vpsel !p0, $0x0, v56;
	p6 =	seq.s32 s3, $0x1;
	s3 =	sld [smem:$0x7F7];
	v10 =	vadd.s32 v47, v10;
	v54, _, _ =	vpop (xrf0)  }
0xf7: {  	v13 =	vadd.s32 v15, v13;
	p2 =	seq.s32 s25, $0x1;
	s25 =	sld [smem:$0x7F6];
	v10 =	vadd.s32 v48, v10;
	(v2sf) =	vpush v54, $0xF  }
0xf8: {  	v55 =	vpsel !p5, $0x0, v57;
	v56 =	vpsel !p6, $0x0, v35;
	p6 =	seq.s32 s2, $0x1;
	s2 =	sld [smem:$0x7EF];
	v10 =	vadd.s32 v50, v10  }
0xf9: {  	v9 =	vadd.s32 v24, v9;
	v13 =	vadd.s32 v14, v13;
	p3 =	seq.s32 s3, $0x1;
	s3 =	sld [smem:$0x7F5];
	v10 =	vadd.s32 v52, v10  }
0xfa: {  	v9 =	vadd.s32 v55, v9;
	v13 =	vadd.s32 v56, v13;
	[tilespmem:$0x18B0] =	vst v10;
	v10 =	vpsel !p2, $0x0, v36  }
0xfb: {  	v57 =	vpsel !p6, $0x0, v33;
	v58 =	vpsel !p3, $0x0, v38;
	p2 =	seq.s32 s25, $0x1;
	s25 =	sld [smem:$0x7F3];
	v10 =	vadd.s32 v10, v13;
	v59 =	vld [tilespmem:$0x18B0]  }
0xfc: {  	v9 =	vadd.s32 v57, v9;
	p1 =	seq.s32 s2, $0x1;
	p3 =	seq.s32 s3, $0x1;
	v60 =	vpsel !p2, $0x0, v42;
	v10 =	vadd.s32 v58, v10  }
0xfd: {  	[tilespmem:$0x1900] =	vst v7;
	v61 =	vpsel !p3, $0x0, v43;
	v7 =	vadd.s32 v60, v10;
	v10 =	vpsel !p1, $0x0, v12  }
0xfe: {  	[tilespmem:$0x1910] =	vst v8;
	v8 =	vadd.s32 v10, v9;
	v7 =	vadd.s32 v61, v7;
	v9 =	vpsel !p4, $0x0, v44;
	v10 =	vld [tilespmem:$0x1900];
	p4 =	seq.s32 s25, $0x1  }
0xff: {  	[tilespmem:$0x1920] =	vst v8;
	v7 =	vadd.s32 v9, v7;
	v8 =	vpsel !p4, $0x0, v45;
	v9 =	vld [tilespmem:$0x1910]  }
0x100: {  	v7 =	vadd.s32 v8, v7;
	v8 =	vpsel !p0, $0x0, v46;
	v62 =	vld [tilespmem:$0x1920];
	(xrf0) =	vadd.scan.msk.s32 $0xffff, v59  }
0x101: {  	v63 =	vbroadcast v51, $0xF;
	v7 =	vadd.s32 v8, v7;
	v8 =	vpsel !p5, $0x0, v47  }
0x102: {  	v7 =	vadd.s32 v8, v7;
	v8 =	vpsel !p6, $0x0, v48  }
0x103: {  	v7 =	vadd.s32 v8, v7;
	v8 =	vsub.s32 v10, v39;
	v10 =	vsub.s32 v63, v11;
	s2 =	spop (v2sf)  }
0x104: {  	v11 =	vpsel !p1, $0x0, v50;
	v8 =	vadd.s32 v51, v8;
	s3 =	spop (v2sf)  }
0x105: {  	v7 =	vadd.s32 v11, v7;
	[tilespmem:$0x1900] =	vst v8;
	v8 =	vadd.s32 v9, v10;
	v9 =	vsub.s32 v62, v41;
	s0 =	sadd.s32 s2, s3;
	s3 =	sld [smem:$0x7EE]  }
0x106: {  	[tilespmem:$0x1930] =	vst v7;
	v7 =	vsub.s32 v7, v59;
	v8 =	vadd.s32 v53, v8;
	v9 =	vadd.s32 v54, v9;
	v10, _, _ =	vpop (xrf0);
	s25 =	spop (v2sf)  }
0x107: {  	[tilespmem:$0x1910] =	vst v8;
	v7 =	vadd.s32 v10, v7;
	v8 =	vadd.s32 s0, v9;
	s0 =	sadd.s32 s0, s25  }
0x108: {  	[tilespmem:$0x1920] =	vst v8;
	v7 =	vadd.s32 s0, v7;
	p0 =	seq.s32 s3, $0x1  }
0x109: {  	[tilespmem:$0x1930] =	vst v7;
	s3 =	rddreg [dreg:$0x3];
	s0 =	simm.s32 @!p0 $0x0;
	s2 =	simm.s32 @!p0 $0x1880  }
0x10a: {  	[hbm4b:s3+s0] =	stream.linear.scatter @!p0 [tilespmem:s2], [sflag:$0x7], $0x80, $0x38;
	[tilespmem:$0x1BDC0] =	vst v63  }
0x10b: {  	s0 =	simm.s32 @!p0 $0x7  }
0x10c: {  	_ =	swait.ge @!p0 [sflag:s0], $0x80  }
0x10d: {  	[sflag:s0] =	ssyncset.done @!p0 $0x0  }
0x10e: {  	s25 =	simm.s32 $0x0;
	[sflag:s0] =	ssyncadd.s32 @!p0 $0xFFFFFF80  }
0x10f: {  	v7 =	vor.u32 s25, v0;
	v8 =	vld [tilespmem:s25+$0x0]  }
0x110: {  	v9 =	vmov s25;
	v7 =	vand.u32 $0x3F, v7  }
0x111: {  	vm2 =	veq.s32 v9, v0;
	vm3 =	vne.s32 v7, $0x0  }
0x112: {  	vm2 =	vmand vm2, vm3  }
0x113: {  	v7 =	vshrl.u32 v9, $0x6;
	v9 =	vsel vm2, $0xFFFFFFFF, v1  }
0x114: {  	v7 =	vadd.s32 v9, v7;
	v9 =	vshll.u32 v8, $0x4  }
0x115: {  	v7 =	vadd.s32 v9, v7;
	_ =	sdelay $0x2  }
0x116: {  	s3 =	simm.s32 $0x800  }
0x117: {  	v9 =	vld [tilespmem:s3+$0x0]  }
0x118: {  	v7 =	vld.idx.msk [tilespmem:v7+s9+$0x0], $0xffff  }
0x119: {  	v8 =	vld.idx.msk [tilespmem:v8+s10+$0x0], $0xffff;
	_ =	sdelay $0x3  }
0x11a: {  	v7 =	vadd.s32 v9, v7  }
0x11b: {  	s31 =	simm.s32 $0x1980;
	v7 =	vadd.s32 v8, v7  }
0x11c: {  	s0 =	simm.s32 $0x10;
	[tilespmem:s31+$0x0] =	vst v7  }
0x11d: {  	s2 =	simm.s32 $0x20;
	s25 =	simm.s32 $0x10;
	v8 =	vor.u32 s0, v0;
	v7 =	vld [tilespmem:s0+$0x0]  }
.LBB2_8:
0x11e: {  	p4 =	sne.s32 s2, $0x3F0;
	v9 =	vmov s0;
	v8 =	vand.u32 $0x3F, v8;
	s0 =	smov.u32 s2  }
0x11f: {  	vm2 =	veq.s32 v9, v0;
	vm3 =	vne.s32 v8, $0x0  }
0x120: {  	vm2 =	vmand vm2, vm3  }
0x121: {  	v8 =	vshrl.u32 v9, $0x6;
	v9 =	vsel vm2, $0xFFFFFFFF, v1  }
0x122: {  	v8 =	vadd.s32 v9, v8;
	v9 =	vshll.u32 v7, $0x4  }
0x123: {  	v8 =	vadd.s32 v9, v8;
	_ =	sdelay $0x2  }
0x124: {  	s3 =	sadd.s32 $0x10, s3  }
0x125: {  	v9 =	vld [tilespmem:s3+$0x0]  }
0x126: {  	v8 =	vld.idx.msk [tilespmem:v8+s9+$0x0], $0xffff  }
0x127: {  	v7 =	vld.idx.msk [tilespmem:v7+s10+$0x0], $0xffff;
	_ =	sdelay $0x3  }
.Ltmp5:
0x128: {  	(pc) =	sbr.rel @p4 .LBB2_8-.Ltmp5, $4  }
0x129: {  	v8 =	vadd.s32 v9, v8  }
0x12a: {  	s31 =	sadd.s32 $0x10, s31;
	v7 =	vadd.s32 v7, v8  }
0x12b: {  	s25 =	sadd.s32 $0x10, s25;
	[tilespmem:s31+$0x0] =	vst v7  }
0x12c: {  	s2 =	sadd.s32 $0x10, s2;
	v8 =	vor.u32 s0, v0;
	v7 =	vld [tilespmem:s25+$0x0]  }
0x12d: {  	v9 =	vmov s0;
	v8 =	vand.u32 $0x3F, v8  }
0x12e: {  	vm2 =	veq.s32 v9, v0;
	vm3 =	vne.s32 v8, $0x0  }
0x12f: {  	vm2 =	vmand vm2, vm3  }
0x130: {  	v8 =	vshrl.u32 v9, $0x6;
	v9 =	vsel vm2, $0xFFFFFFFF, v1  }
0x131: {  	v8 =	vadd.s32 v9, v8;
	v9 =	vshll.u32 v7, $0x4  }
0x132: {  	v8 =	vadd.s32 v9, v8;
	_ =	sdelay $0x2  }
0x133: {  	[dreg:$0xf] =	wrdreg s1;
	s1 =	sadd.s32 $0x10, s3  }
0x134: {  	v9 =	vld [tilespmem:s1+$0x0]  }
0x135: {  	v8 =	vld.idx.msk [tilespmem:v8+s9+$0x0], $0xffff  }
0x136: {  	v7 =	vld.idx.msk [tilespmem:v7+s10+$0x0], $0xffff;
	_ =	sdelay $0x3  }
0x137: {  	s3 =	simm.s32 $0x0;
	v8 =	vadd.s32 v9, v8  }
0x138: {  	s2 =	sadd.s32 $0x10, s31;
	v7 =	vadd.s32 v7, v8;
	v8 =	vmov s3  }
0x139: {  	s25 =	rddreg [dreg:$0xc];
	[tilespmem:s2+$0x0] =	vst v7;
	vm2 =	veq.s32 v8, v0  }
0x13a: {  	v7 =	vor.u32 s3, v0;
	[hbm4b:s25+s3] =	stream.linear.scatter [tilespmem:s12], [sflag:$0x7], $0x200, $0x38;
	vm2 =	vmand vm2, vm0;
	[tilespmem:$0x1BDC0] =	vst v63  }
0x13b: {  	s31 =	sand.u32 $0x180, s3;
	v7 =	vshrl.u32 v7, $0x3;
	_ =	swait.ge [sflag:s6], $0x200;
	v8 =	vsel vm2, $0xFFFFFFFF, v1  }
0x13c: {  	s2 =	sand.u32 $0x70, s3;
	s25 =	sadd.s32 s31, s12;
	[sflag:s6] =	ssyncset.done $0x0;
	v7 =	vadd.s32 v8, v7  }
0x13d: {  	s0 =	simm.s32 $0x10;
	s2 =	sadd.s32 s2, s25;
	[sflag:s6] =	ssyncadd.s32 $0xFFFFFE00;
	v8 =	vshll.u32 v7, $0x7;
	v7 =	vand.u32 $0x7, v0  }
.LBB2_10:
0x13e: {  	v9 =	vmov s0;
	p4 =	sne.s32 s0, $0x1F0;
	v10 =	vld [tilespmem:s2+$0x0];
	v11 =	vor.u32 v7, v8;
	s2 =	smov.u32 s0;
	s0 =	sadd.s32 $0x10, s0  }
.Ltmp6:
0x13f: {  	vm2 =	veq.s32 v9, v0;
	(pc) =	sbr.rel @p4 .LBB2_10-.Ltmp6, $4  }
0x140: {  	v8 =	vor.u32 s2, v0;
	vm2 =	vmand vm2, vm0  }
0x141: {  	s25 =	sand.u32 $0x180, s2;
	v8 =	vshrl.u32 v8, $0x3;
	v9 =	vsel vm2, $0xFFFFFFFF, v1  }
0x142: {  	s2 =	sand.u32 $0x70, s2;
	s25 =	sadd.s32 s25, s12;
	v8 =	vadd.s32 v9, v8  }
0x143: {  	s2 =	sadd.s32 s2, s25;
	v8 =	vshll.u32 v8, $0x7;
	[tilespmem:v11+s11+$0x0] =	vst.idx.msk $0xffff, v10  }
0x144: {  	v9 =	vld [tilespmem:s2+$0x0];
	v8 =	vor.u32 v7, v8;
	_ =	sdelay $0x3  }
0x145: {  	s31 =	rddreg [dreg:$0xe]  }
0x146: {  	s2 =	rddreg [dreg:$0x2];
	s25 =	simm.s32 $0x3D80;
	s6 =	simm.s32 $0x13D80;
	[tilespmem:v8+s11+$0x0] =	vst.idx.msk $0xffff, v9  }
.LBB2_12:
0x147: {  	s0 =	simm.s32 $0x1  }
0x148: {  	_ =	swait.ge [sflag:s0], $0x8000  }
0x149: {  	[sflag:s0] =	ssyncset.done $0x0  }
0x14a: {  	[sflag:s0] =	ssyncadd.s32 $0xFFFF8000;
	s0 =	sshra.s32 s3, $0x2  }
0x14b: {  	v8 =	vld.msk [tilespmem:s0+$0x1D80], $0xff;
	_ =	sdelay $0x4  }
0x14c: {  	v9 =	vshll.u32 v8, $0x5  }
0x14d: {  	v8 =	vand.u32 $0x7, v8;
	v9 =	vand.u32 $0xFFFFFF00, v9  }
0x14e: {  	v8 =	vor.u32 v8, v9;
	v9 =	vshrl.u32 v0, $0x3  }
0x14f: {  	v10 =	vperm.xlane v8, v7;
	v8 =	vmul.u32 $0x8, v9;
	_ =	sdelay $0x1  }
0x150: {  	v9 =	vadd.s32 v8, v10;
	_ =	sdelay $0x4  }
0x151: {  	[hbm4b:s2+s5] =	stream.indirect_vreg.scatter [tilespmem:s25], [sflag:$0x4], $0x80, v9, vm1, $0xb8;
	[tilespmem:$0x1BDC0] =	vst v63  }
0x152: {  	s1 =	simm.s32 $0x4580  }
0x153: {  	[hbm4b:s13+s5] =	stream.indirect_vreg.scatter [tilespmem:s1], [sflag:$0x4], $0x80, v9, vm1, $0xb8;
	[tilespmem:$0x1BDC0] =	vst v63  }
0x154: {  	s1 =	simm.s32 $0x4D80  }
0x155: {  	[hbm4b:s14+s5] =	stream.indirect_vreg.scatter [tilespmem:s1], [sflag:$0x4], $0x80, v9, vm1, $0xb8;
	[tilespmem:$0x1BDC0] =	vst v63  }
0x156: {  	s1 =	simm.s32 $0x5580  }
0x157: {  	[hbm4b:s15+s5] =	stream.indirect_vreg.scatter [tilespmem:s1], [sflag:$0x4], $0x80, v9, vm1, $0xb8;
	[tilespmem:$0x1BDC0] =	vst v63  }
0x158: {  	s1 =	simm.s32 $0x5D80  }
0x159: {  	[hbm4b:s16+s5] =	stream.indirect_vreg.scatter [tilespmem:s1], [sflag:$0x4], $0x80, v9, vm1, $0xb8;
	[tilespmem:$0x1BDC0] =	vst v63  }
0x15a: {  	s1 =	simm.s32 $0x6580  }
0x15b: {  	[hbm4b:s17+s5] =	stream.indirect_vreg.scatter [tilespmem:s1], [sflag:$0x4], $0x80, v9, vm1, $0xb8;
	[tilespmem:$0x1BDC0] =	vst v63  }
0x15c: {  	s1 =	simm.s32 $0x6D80  }
0x15d: {  	[hbm4b:s18+s5] =	stream.indirect_vreg.scatter [tilespmem:s1], [sflag:$0x4], $0x80, v9, vm1, $0xb8;
	[tilespmem:$0x1BDC0] =	vst v63  }
0x15e: {  	s1 =	simm.s32 $0x7580  }
0x15f: {  	[hbm4b:s19+s5] =	stream.indirect_vreg.scatter [tilespmem:s1], [sflag:$0x4], $0x80, v9, vm1, $0xb8;
	[tilespmem:$0x1BDC0] =	vst v63  }
0x160: {  	s1 =	simm.s32 $0x7D80  }
0x161: {  	[hbm4b:s20+s5] =	stream.indirect_vreg.scatter [tilespmem:s1], [sflag:$0x4], $0x80, v9, vm1, $0xb8;
	[tilespmem:$0x1BDC0] =	vst v63  }
0x162: {  	s1 =	simm.s32 $0x8580  }
0x163: {  	[hbm4b:s21+s5] =	stream.indirect_vreg.scatter [tilespmem:s1], [sflag:$0x4], $0x80, v9, vm1, $0xb8;
	[tilespmem:$0x1BDC0] =	vst v63  }
0x164: {  	s1 =	simm.s32 $0x8D80  }
0x165: {  	[hbm4b:s22+s5] =	stream.indirect_vreg.scatter [tilespmem:s1], [sflag:$0x4], $0x80, v9, vm1, $0xb8;
	[tilespmem:$0x1BDC0] =	vst v63  }
0x166: {  	s1 =	simm.s32 $0x9580  }
0x167: {  	[hbm4b:s23+s5] =	stream.indirect_vreg.scatter [tilespmem:s1], [sflag:$0x4], $0x80, v9, vm1, $0xb8;
	[tilespmem:$0x1BDC0] =	vst v63  }
0x168: {  	s1 =	simm.s32 $0x9D80  }
0x169: {  	[hbm4b:s24+s5] =	stream.indirect_vreg.scatter [tilespmem:s1], [sflag:$0x4], $0x80, v9, vm1, $0xb8;
	[tilespmem:$0x1BDC0] =	vst v63  }
0x16a: {  	s1 =	simm.s32 $0xA580  }
0x16b: {  	[hbm4b:s26+s5] =	stream.indirect_vreg.scatter [tilespmem:s1], [sflag:$0x4], $0x80, v9, vm1, $0xb8;
	[tilespmem:$0x1BDC0] =	vst v63  }
0x16c: {  	s1 =	simm.s32 $0xAD80  }
0x16d: {  	[hbm4b:s28+s5] =	stream.indirect_vreg.scatter [tilespmem:s1], [sflag:$0x4], $0x80, v9, vm1, $0xb8;
	[tilespmem:$0x1BDC0] =	vst v63  }
0x16e: {  	s1 =	simm.s32 $0xB580  }
0x16f: {  	[hbm4b:s29+s5] =	stream.indirect_vreg.scatter [tilespmem:s1], [sflag:$0x4], $0x80, v9, vm1, $0xb8;
	[tilespmem:$0x1BDC0] =	vst v63  }
0x170: {  	s1 =	simm.s32 $0x2  }
0x171: {  	_ =	swait.ge [sflag:s1], $0x8000  }
0x172: {  	[sflag:s1] =	ssyncset.done $0x0  }
0x173: {  	[sflag:s1] =	ssyncadd.s32 $0xFFFF8000  }
0x174: {  	v9 =	vld.msk [tilespmem:s0+$0x1E00], $0xff;
	_ =	sdelay $0x4  }
0x175: {  	v10 =	vshll.u32 v9, $0x5  }
0x176: {  	v9 =	vand.u32 $0x7, v9;
	v10 =	vand.u32 $0xFFFFFF00, v10  }
0x177: {  	v9 =	vor.u32 v9, v10  }
0x178: {  	v9 =	vperm.xlane v9, v7;
	_ =	sdelay $0x1  }
0x179: {  	v9 =	vadd.s32 v8, v9;
	_ =	sdelay $0x4  }
0x17a: {  	[hbm4b:s2+s5] =	stream.indirect_vreg.scatter [tilespmem:s30], [sflag:$0x5], $0x80, v9, vm1, $0xb8;
	[tilespmem:$0x1BDC0] =	vst v63  }
0x17b: {  	s1 =	simm.s32 $0xC580  }
0x17c: {  	[hbm4b:s13+s5] =	stream.indirect_vreg.scatter [tilespmem:s1], [sflag:$0x5], $0x80, v9, vm1, $0xb8;
	[tilespmem:$0x1BDC0] =	vst v63  }
0x17d: {  	s1 =	simm.s32 $0xCD80  }
0x17e: {  	[hbm4b:s14+s5] =	stream.indirect_vreg.scatter [tilespmem:s1], [sflag:$0x5], $0x80, v9, vm1, $0xb8;
	[tilespmem:$0x1BDC0] =	vst v63  }
0x17f: {  	s1 =	simm.s32 $0xD580  }
0x180: {  	[hbm4b:s15+s5] =	stream.indirect_vreg.scatter [tilespmem:s1], [sflag:$0x5], $0x80, v9, vm1, $0xb8;
	[tilespmem:$0x1BDC0] =	vst v63  }
0x181: {  	s1 =	simm.s32 $0xDD80  }
0x182: {  	[hbm4b:s16+s5] =	stream.indirect_vreg.scatter [tilespmem:s1], [sflag:$0x5], $0x80, v9, vm1, $0xb8;
	[tilespmem:$0x1BDC0] =	vst v63  }
0x183: {  	s1 =	simm.s32 $0xE580  }
0x184: {  	[hbm4b:s17+s5] =	stream.indirect_vreg.scatter [tilespmem:s1], [sflag:$0x5], $0x80, v9, vm1, $0xb8;
	[tilespmem:$0x1BDC0] =	vst v63  }
0x185: {  	s1 =	simm.s32 $0xED80  }
0x186: {  	[hbm4b:s18+s5] =	stream.indirect_vreg.scatter [tilespmem:s1], [sflag:$0x5], $0x80, v9, vm1, $0xb8;
	[tilespmem:$0x1BDC0] =	vst v63  }
0x187: {  	s1 =	simm.s32 $0xF580  }
0x188: {  	[hbm4b:s19+s5] =	stream.indirect_vreg.scatter [tilespmem:s1], [sflag:$0x5], $0x80, v9, vm1, $0xb8;
	[tilespmem:$0x1BDC0] =	vst v63  }
0x189: {  	s1 =	simm.s32 $0xFD80  }
0x18a: {  	[hbm4b:s20+s5] =	stream.indirect_vreg.scatter [tilespmem:s1], [sflag:$0x5], $0x80, v9, vm1, $0xb8;
	[tilespmem:$0x1BDC0] =	vst v63  }
0x18b: {  	s1 =	simm.s32 $0x10580  }
0x18c: {  	[hbm4b:s21+s5] =	stream.indirect_vreg.scatter [tilespmem:s1], [sflag:$0x5], $0x80, v9, vm1, $0xb8;
	[tilespmem:$0x1BDC0] =	vst v63  }
0x18d: {  	s1 =	simm.s32 $0x10D80  }
0x18e: {  	[hbm4b:s22+s5] =	stream.indirect_vreg.scatter [tilespmem:s1], [sflag:$0x5], $0x80, v9, vm1, $0xb8;
	[tilespmem:$0x1BDC0] =	vst v63  }
0x18f: {  	s1 =	simm.s32 $0x11580  }
0x190: {  	[hbm4b:s23+s5] =	stream.indirect_vreg.scatter [tilespmem:s1], [sflag:$0x5], $0x80, v9, vm1, $0xb8;
	[tilespmem:$0x1BDC0] =	vst v63  }
0x191: {  	s1 =	simm.s32 $0x11D80  }
0x192: {  	[hbm4b:s24+s5] =	stream.indirect_vreg.scatter [tilespmem:s1], [sflag:$0x5], $0x80, v9, vm1, $0xb8;
	[tilespmem:$0x1BDC0] =	vst v63  }
0x193: {  	s1 =	simm.s32 $0x12580  }
0x194: {  	[hbm4b:s26+s5] =	stream.indirect_vreg.scatter [tilespmem:s1], [sflag:$0x5], $0x80, v9, vm1, $0xb8;
	[tilespmem:$0x1BDC0] =	vst v63  }
0x195: {  	s1 =	simm.s32 $0x12D80  }
0x196: {  	[hbm4b:s28+s5] =	stream.indirect_vreg.scatter [tilespmem:s1], [sflag:$0x5], $0x80, v9, vm1, $0xb8;
	[tilespmem:$0x1BDC0] =	vst v63  }
0x197: {  	s1 =	simm.s32 $0x13580  }
0x198: {  	[hbm4b:s29+s5] =	stream.indirect_vreg.scatter [tilespmem:s1], [sflag:$0x5], $0x80, v9, vm1, $0xb8;
	[tilespmem:$0x1BDC0] =	vst v63  }
0x199: {  	s1 =	simm.s32 $0x3  }
0x19a: {  	_ =	swait.ge [sflag:s1], $0x8000  }
0x19b: {  	[sflag:s1] =	ssyncset.done $0x0  }
0x19c: {  	[sflag:s1] =	ssyncadd.s32 $0xFFFF8000  }
0x19d: {  	v9 =	vld.msk [tilespmem:s0+$0x1E80], $0xff;
	_ =	sdelay $0x4  }
0x19e: {  	v10 =	vshll.u32 v9, $0x5  }
0x19f: {  	v9 =	vand.u32 $0x7, v9;
	v10 =	vand.u32 $0xFFFFFF00, v10  }
0x1a0: {  	v9 =	vor.u32 v9, v10  }
0x1a1: {  	v9 =	vperm.xlane v9, v7;
	_ =	sdelay $0x1  }
0x1a2: {  	v9 =	vadd.s32 v8, v9;
	_ =	sdelay $0x4  }
0x1a3: {  	[hbm4b:s2+s5] =	stream.indirect_vreg.scatter [tilespmem:s6], [sflag:$0x6], $0x80, v9, vm1, $0xb8;
	[tilespmem:$0x1BDC0] =	vst v63  }
0x1a4: {  	s1 =	simm.s32 $0x14580  }
0x1a5: {  	[hbm4b:s13+s5] =	stream.indirect_vreg.scatter [tilespmem:s1], [sflag:$0x6], $0x80, v9, vm1, $0xb8;
	[tilespmem:$0x1BDC0] =	vst v63  }
0x1a6: {  	s1 =	simm.s32 $0x14D80  }
0x1a7: {  	[hbm4b:s14+s5] =	stream.indirect_vreg.scatter [tilespmem:s1], [sflag:$0x6], $0x80, v9, vm1, $0xb8;
	[tilespmem:$0x1BDC0] =	vst v63  }
0x1a8: {  	s1 =	simm.s32 $0x15580  }
0x1a9: {  	[hbm4b:s15+s5] =	stream.indirect_vreg.scatter [tilespmem:s1], [sflag:$0x6], $0x80, v9, vm1, $0xb8;
	[tilespmem:$0x1BDC0] =	vst v63  }
0x1aa: {  	s1 =	simm.s32 $0x15D80  }
0x1ab: {  	[hbm4b:s16+s5] =	stream.indirect_vreg.scatter [tilespmem:s1], [sflag:$0x6], $0x80, v9, vm1, $0xb8;
	[tilespmem:$0x1BDC0] =	vst v63  }
0x1ac: {  	s1 =	simm.s32 $0x16580  }
0x1ad: {  	[hbm4b:s17+s5] =	stream.indirect_vreg.scatter [tilespmem:s1], [sflag:$0x6], $0x80, v9, vm1, $0xb8;
	[tilespmem:$0x1BDC0] =	vst v63  }
0x1ae: {  	s1 =	simm.s32 $0x16D80  }
0x1af: {  	[hbm4b:s18+s5] =	stream.indirect_vreg.scatter [tilespmem:s1], [sflag:$0x6], $0x80, v9, vm1, $0xb8;
	[tilespmem:$0x1BDC0] =	vst v63  }
0x1b0: {  	s1 =	simm.s32 $0x17580  }
0x1b1: {  	[hbm4b:s19+s5] =	stream.indirect_vreg.scatter [tilespmem:s1], [sflag:$0x6], $0x80, v9, vm1, $0xb8;
	[tilespmem:$0x1BDC0] =	vst v63  }
0x1b2: {  	s1 =	simm.s32 $0x17D80  }
0x1b3: {  	[hbm4b:s20+s5] =	stream.indirect_vreg.scatter [tilespmem:s1], [sflag:$0x6], $0x80, v9, vm1, $0xb8;
	[tilespmem:$0x1BDC0] =	vst v63  }
0x1b4: {  	s1 =	simm.s32 $0x18580  }
0x1b5: {  	[hbm4b:s21+s5] =	stream.indirect_vreg.scatter [tilespmem:s1], [sflag:$0x6], $0x80, v9, vm1, $0xb8;
	[tilespmem:$0x1BDC0] =	vst v63  }
0x1b6: {  	s1 =	simm.s32 $0x18D80  }
0x1b7: {  	[hbm4b:s22+s5] =	stream.indirect_vreg.scatter [tilespmem:s1], [sflag:$0x6], $0x80, v9, vm1, $0xb8;
	[tilespmem:$0x1BDC0] =	vst v63  }
0x1b8: {  	s1 =	simm.s32 $0x19580  }
0x1b9: {  	[hbm4b:s23+s5] =	stream.indirect_vreg.scatter [tilespmem:s1], [sflag:$0x6], $0x80, v9, vm1, $0xb8;
	[tilespmem:$0x1BDC0] =	vst v63  }
0x1ba: {  	s1 =	simm.s32 $0x19D80  }
0x1bb: {  	[hbm4b:s24+s5] =	stream.indirect_vreg.scatter [tilespmem:s1], [sflag:$0x6], $0x80, v9, vm1, $0xb8;
	[tilespmem:$0x1BDC0] =	vst v63  }
0x1bc: {  	s1 =	simm.s32 $0x1A580  }
0x1bd: {  	[hbm4b:s26+s5] =	stream.indirect_vreg.scatter [tilespmem:s1], [sflag:$0x6], $0x80, v9, vm1, $0xb8;
	[tilespmem:$0x1BDC0] =	vst v63  }
0x1be: {  	s1 =	simm.s32 $0x1AD80  }
0x1bf: {  	[hbm4b:s28+s5] =	stream.indirect_vreg.scatter [tilespmem:s1], [sflag:$0x6], $0x80, v9, vm1, $0xb8;
	[tilespmem:$0x1BDC0] =	vst v63  }
0x1c0: {  	s1 =	simm.s32 $0x1B580  }
0x1c1: {  	[hbm4b:s29+s5] =	stream.indirect_vreg.scatter [tilespmem:s1], [sflag:$0x6], $0x80, v9, vm1, $0xb8;
	[tilespmem:$0x1BDC0] =	vst v63  }
0x1c2: {  	_ =	swait.ge [sflag:s8], $0x8000  }
0x1c3: {  	p4 =	seq.s32 s3, $0x7800;
	[sflag:s8] =	ssyncset.done $0x0  }
.Ltmp7:
0x1c4: {  	s1 =	simm.s32 $0x5;
	[sflag:s8] =	ssyncadd.s32 $0xFFFF8000;
	(pc) =	sbr.rel @p4 .LBB2_14-.Ltmp7, $4  }
0x1c5: {  	[tilespmem:s25], [sflag:$0x1] =	stream.linear.gather [hbm4b:s31+s5], $0x8000, $0x38;
	[tilespmem:$0x1BDC0] =	vst v63  }
0x1c6: {  	_ =	swait.ge [sflag:s1], $0x8000  }
0x1c7: {  	[sflag:s1] =	ssyncset.done $0x0  }
0x1c8: {  	[sflag:s1] =	ssyncadd.s32 $0xFFFF8000  }
0x1c9: {  	s0 =	sadd.s32 $0x1000, s31  }
0x1ca: {  	[tilespmem:s30], [sflag:$0x2] =	stream.linear.gather [hbm4b:s0+s5], $0x8000, $0x38;
	[tilespmem:$0x1BDC0] =	vst v63  }
.Ltmp8:
0x1cb: {  	s1 =	simm.s32 $0x6;
	(pc) =	sbr.rel .LBB2_12-.Ltmp8, $4  }
0x1cc: {  	_ =	swait.ge [sflag:s1], $0x8000  }
0x1cd: {  	s3 =	sadd.s32 $0x600, s3;
	[sflag:s1] =	ssyncset.done $0x0  }
0x1ce: {  	[sflag:s1] =	ssyncadd.s32 $0xFFFF8000;
	s1 =	sadd.s32 $0x2000, s31;
	s31 =	sadd.s32 $0x3000, s31  }
0x1cf: {  	[tilespmem:s6], [sflag:$0x3] =	stream.linear.gather [hbm4b:s1+s5], $0x8000, $0x38;
	[tilespmem:$0x1BDC0] =	vst v63  }
.LBB2_15:
0x1d0: {  	_ =	sfence.sel $0x180000  }
0x1d1: {  	[bflag:$0x0] =	sbarrier.arrive $0xFFFF  }
0x1d2: {  	_ =	strace $0x90000047  }
0x1d3: {  	s0 =	stileid.u32;
	[bflag:$0x2] =	sbarrier.arrive $0xFFFF  }
0x1d4: {  	p0 =	sne.s32 s0, $0x0;
	s0 =	rddreg [dreg:$0x6]  }
0x1d5: {  	s0 =	sadd.s32 @!p0 $0x100000, s0  }
0x1d6: {  	[sflag:s0] =	ssyncadd.tile.s32 @!p0 $0x1;
	_ =	shalt  }
.Lfunc_end2:
_tile_overlayer_lowered:
.L_overlay_start_2:
0x1d7: {  	(tag) =	ssettag $0x2  }
0x1d8: {  	s0 =	rddreg [dreg:$0x0];
	s2 =	stileid.u32  }
0x1d9: {  	s1 =	rddreg [dreg:$0x1];
	p0 =	sne.s32 s2, $0x0  }
0x1da: {  	s3 =	rddreg [dreg:$0x2];
	[bflag:$0x3] =	sbarrier.arrive $0xFFFF;
	s2 =	simm.s32 @!p0 $0x1C07  }
0x1db: {  	[timem:s3], [sflag:s2] =	dma.local @!p0 [hbm:s0], s1  }
0x1dc: {  	s0 =	simm.s32 @!p0 $0x7  }
0x1dd: {  	_ =	swait.ge @!p0 [sflag:s0], s1  }
0x1de: {  	s1 =	ssub.s32 @!p0 $0x0, s1;
	[sflag:s0] =	ssyncset.done @!p0 $0x0  }
0x1df: {  	[sflag:s0] =	ssyncadd.s32 @!p0 s1  }
0x1e0: {  	[bflag:$0x3] =	sbarrier.arrive $0xFFFF  }
0x1e1: {  	_ =	shalt  }

</sc_bundles>
